<compile_context>
chip_gen: v7x
topology: tpu7x:2x2x1
jax: 0.10.2.dev20260603
libtpu: 0.0.44.dev20260713+nightly
codegen_flags: <defaults>
</compile_context>

<pallas_src>
import jax
import jax.numpy as jnp
from jax import lax
from jax.experimental import pallas as pl
from jax.experimental.pallas import tpu as pltpu
from jax.experimental.pallas import tpu_sc as plsc

NC = 2
NS = 16
NW = NC * NS
LANES = 16
DP = 128
BB = 128


def kernel(X, table, pe):
    B, T = X.shape
    V, D = table.shape
    scale_val = float(D) ** 0.5

    xt = X.T
    tblp = jnp.pad(table, ((0, 0), (0, DP - D)))
    pe_flat = pe[:T].reshape(T * D)

    mesh = plsc.VectorSubcoreMesh(
        core_axis_name="c", subcore_axis_name="s",
        num_cores=NC, num_subcores=NS)

    @pl.kernel(
        out_type=jax.ShapeDtypeStruct((T, D, B), jnp.float32),
        mesh=mesh,
        scratch_types=[
            pltpu.VMEM((T, BB), jnp.int32),
            pltpu.VMEM((2, BB, DP), jnp.float32),
            pltpu.VMEM((2, D, BB), jnp.float32),
            pltpu.VMEM((T * D,), jnp.float32),
            pltpu.SemaphoreType.DMA((2,)),
            pltpu.SemaphoreType.DMA((2,)),
            pltpu.SemaphoreType.DMA,
        ],
        compiler_params=pltpu.CompilerParams(
            needs_layout_passes=False, use_tc_tiling_on_sc=True),
    )
    def emb_kernel(x_hbm, tbl_hbm, pe_hbm, out_hbm,
                   idx_v, rows_v, o_v, pe_v, gsem, ssem, isem):
        wid = lax.axis_index("s") * NC + lax.axis_index("c")
        b0 = wid * BB
        pltpu.sync_copy(pe_hbm, pe_v)
        pltpu.async_copy(x_hbm.at[:, pl.ds(b0, BB)], idx_v, isem).wait()

        pltpu.make_async_copy(
            tbl_hbm.at[idx_v.at[0]], rows_v.at[0], gsem.at[0]).start()

        lane_iota = lax.iota(jnp.int32, LANES)

        def compute_t(t, rb):
            svecs = []
            for bg in range(BB // LANES):
                idx16 = idx_v[t, pl.ds(bg * LANES, LANES)]
                svecs.append(jnp.where(idx16 != 0,
                                       jnp.float32(scale_val),
                                       jnp.float32(0.0)))

            @plsc.parallel_loop(0, D, 1, unroll=4)
            def d_body(d):
                pe_splat = plsc.load_gather(
                    pe_v, [jnp.full((LANES,), t * D + d, jnp.int32)])
                for bg in range(BB // LANES):
                    col = plsc.load_gather(
                        rows_v.at[rb],
                        [lane_iota + bg * LANES,
                         jnp.full((LANES,), d, jnp.int32)])
                    o_v[rb, d, pl.ds(bg * LANES, LANES)] = (
                        col * svecs[bg] + pe_splat)

        def pair_body(m, carry):
            for k in range(2):
                t = m * 2 + k
                b = k
                pltpu.make_async_copy(
                    tbl_hbm.at[idx_v.at[t]], rows_v.at[b], gsem.at[b]).wait()

                def fire_next():
                    pltpu.make_async_copy(
                        tbl_hbm.at[idx_v.at[t + 1]],
                        rows_v.at[1 - b], gsem.at[1 - b]).start()
                if k == 0:
                    fire_next()
                else:
                    @pl.when(m < T // 2 - 1)
                    def _():
                        fire_next()

                @pl.when(m > 0)
                def _():
                    pltpu.make_async_copy(
                        o_v.at[b], out_hbm.at[0, :, pl.ds(b0, BB)],
                        ssem.at[b]).wait()

                compute_t(t, b)
                pltpu.make_async_copy(
                    o_v.at[b], out_hbm.at[t, :, pl.ds(b0, BB)],
                    ssem.at[b]).start()
            return carry

        lax.fori_loop(0, T // 2, pair_body, None)

        for k in range(2):
            pltpu.make_async_copy(
                o_v.at[k], out_hbm.at[T - 2 + k, :, pl.ds(b0, BB)],
                ssem.at[k]).wait()

    out_tdb = emb_kernel(xt, tblp, pe_flat)
    return jnp.transpose(out_tdb, (2, 0, 1))

# --- scband reference (transcript-rebuilt; emitter-appended) ---
"""Pipeline reference for scband-embedding-32186484916359 (READ-ONLY COPY).

The authoritative reference and input builder live on the scoring server;
editing this copy changes nothing except your own understanding.
"""

import jax, jax.numpy as jnp
import numpy as np
import math

VOCAB = 100000
D_MODEL = 64
MAX_LEN = 500


def pos_encoding(max_len, d_model):
    dividend = jnp.arange(max_len, dtype=jnp.float32)[:, None]
    divisor = jnp.power(10000.0, jnp.arange(0, d_model, 2, dtype=jnp.float32) / d_model)
    epsilon = 1e-08
    angles = dividend / (divisor + epsilon)
    pe = jnp.zeros((max_len, d_model), dtype=jnp.float32)
    pe = pe.at[:, 0::2].set(jnp.sin(angles))
    pe = pe.at[:, 1::2].set(jnp.cos(angles))
    return pe


def setup_inputs(seed: int = 0) -> dict:
    key = jax.random.key(seed)
    k1, k2 = jax.random.split(key)
    X = jax.random.randint(k1, (4096, 200), 0, VOCAB, dtype=jnp.int32)
    table = jax.random.normal(k2, (VOCAB, D_MODEL), dtype=jnp.float32) * 0.02
    pe = pos_encoding(MAX_LEN, D_MODEL)
    return {"X": X, "table": table, "pe": pe}


def reference(X, table, pe):
    # padding_idx=0: row 0 of the embedding table is forced to zero
    tbl = table.at[0].set(0.0)
    seq_len = X.shape[-1]
    pos_mat = jnp.arange(seq_len)
    emb = jnp.take(tbl, X, axis=0) * math.sqrt(D_MODEL)
    out = emb + jnp.take(pe, pos_mat, axis=0)
    # dropout is identity in eval/inference mode
    return out

if __name__ == "__main__":
    import jax
    _d = setup_inputs()
    print(jax.jit(kernel)(*tuple(_d.values())))

</pallas_src>

<mosaic_0001>
#map = affine_map<(d0, d1) -> (0, 0)>
#map1 = affine_map<(d0, d1) -> (0)>
#map2 = affine_map<(d0, d1) -> (0, 0, 0)>
module attributes {stable_mosaic.version = 14 : i64} {
  func.func @emb_kernel(%arg0: i32, %arg1: i32, %arg2: memref<200x4096xi32, #tpu.memory_space<hbm>>, %arg3: memref<100000x128xf32, #tpu.memory_space<hbm>>, %arg4: memref<12800xf32, #tpu.memory_space<hbm>>, %arg5: memref<200x64x4096xf32, #tpu.memory_space<hbm>>, %arg6: memref<200x128xi32, #tpu.memory_space<vmem>>, %arg7: memref<2x128x128xf32, #tpu.memory_space<vmem>>, %arg8: memref<2x64x128xf32, #tpu.memory_space<vmem>>, %arg9: memref<12800xf32, #tpu.memory_space<vmem>>, %arg10: memref<2x!tpu.dma_semaphore, #tpu.memory_space<semaphore_mem>>, %arg11: memref<2x!tpu.dma_semaphore, #tpu.memory_space<semaphore_mem>>, %arg12: memref<!tpu.dma_semaphore, #tpu.memory_space<semaphore_mem>>) attributes {dimension_semantics = [#tpu.dimension_semantics<core_parallel>, #tpu.dimension_semantics<subcore_parallel>], iteration_bounds = array<i64: 2, 16>, scalar_prefetch = 0 : i64, scratch_operands = 7 : i64, tpu.core_type = #tpu.core_type<sc_vector_subcore>, window_params = [{transform_indices = #map}, {transform_indices = #map}, {transform_indices = #map1}, {transform_indices = #map2}]} {
    %mul3A = arith.constant 2 : i32
    %mul3A_0 = arith.muli %arg1, %mul3A : i32
    %add3A = arith.addi %mul3A_0, %arg0 : i32
    %mul3A_1 = arith.constant 128 : i32
    %mul3A_2 = arith.muli %add3A, %mul3A_1 : i32
    "tpu.region"() ({
      %run_scoped3A = tpu.sem_alloc : memref<!tpu.dma_semaphore, #tpu.memory_space<semaphore_mem>>
      tpu.enqueue_dma source(%arg4 : memref<12800xf32, #tpu.memory_space<hbm>>) target(%arg9 : memref<12800xf32, #tpu.memory_space<vmem>>) target_semaphore(%run_scoped3A : memref<!tpu.dma_semaphore, #tpu.memory_space<semaphore_mem>>)
      tpu.wait_dma2 semaphore(%run_scoped3A : memref<!tpu.dma_semaphore, #tpu.memory_space<semaphore_mem>>) src(%arg4 : memref<12800xf32, #tpu.memory_space<hbm>>) dst(%arg9 : memref<12800xf32, #tpu.memory_space<vmem>>)
      tpu.yield
    }) : () -> ()
    %dma_start3A = arith.constant 0 : i32
    %dma_start3A_3 = tpu.memref_slice %arg2[%dma_start3A, %mul3A_2] : memref<200x4096xi32, #tpu.memory_space<hbm>> -> memref<200x128xi32, #tpu.memory_space<hbm>>
    %dma_start3A_4 = arith.constant 0 : i32
    %dma_start3A_5 = tpu.memref_slice %arg2[%dma_start3A_4, %mul3A_2] : memref<200x4096xi32, #tpu.memory_space<hbm>> -> memref<200x128xi32, #tpu.memory_space<hbm>>
    tpu.enqueue_dma source(%dma_start3A_5 : memref<200x128xi32, #tpu.memory_space<hbm>>) target(%arg6 : memref<200x128xi32, #tpu.memory_space<vmem>>) target_semaphore(%arg12 : memref<!tpu.dma_semaphore, #tpu.memory_space<semaphore_mem>>)
    %dma_wait3A = arith.constant 0 : i32
    %dma_wait3A_6 = tpu.memref_slice %arg2[%dma_wait3A, %mul3A_2] : memref<200x4096xi32, #tpu.memory_space<hbm>> -> memref<200x128xi32, #tpu.memory_space<hbm>>
    %dma_wait3A_7 = arith.constant 0 : i32
    %dma_wait3A_8 = tpu.memref_slice %arg2[%dma_wait3A_7, %mul3A_2] : memref<200x4096xi32, #tpu.memory_space<hbm>> -> memref<200x128xi32, #tpu.memory_space<hbm>>
    tpu.wait_dma2 semaphore(%arg12 : memref<!tpu.dma_semaphore, #tpu.memory_space<semaphore_mem>>) src(%dma_wait3A_8 : memref<200x128xi32, #tpu.memory_space<hbm>>) dst(%arg6 : memref<200x128xi32, #tpu.memory_space<vmem>>)
    %dma_start3A_9 = arith.constant 0 : i32
    %dma_start3A_10 = arith.constant 0 : i32
    %dma_start3A_11 = arith.constant 0 : i32
    %dma_start3A_12 = arith.constant 0 : i32
    %dma_start3A_13 = arith.constant 0 : i32
    %dma_start3A_14 = tpu.memref_slice %arg7[%dma_start3A_10, %dma_start3A_12, %dma_start3A_13] : memref<2x128x128xf32, #tpu.memory_space<vmem>> -> memref<1x128x128xf32, #tpu.memory_space<vmem>>
    %dma_start3A_15 = tpu.memref_squeeze %dma_start3A_14 : memref<1x128x128xf32, #tpu.memory_space<vmem>> -> memref<128x128xf32, #tpu.memory_space<vmem>>
    %dma_start3A_16 = arith.constant 0 : i32
    %dma_start3A_17 = tpu.memref_slice %arg6[%dma_start3A_9, %dma_start3A_16] : memref<200x128xi32, #tpu.memory_space<vmem>> -> memref<1x128xi32, #tpu.memory_space<vmem>>
    %dma_start3A_18 = tpu.memref_squeeze %dma_start3A_17 : memref<1x128xi32, #tpu.memory_space<vmem>> -> memref<128xi32, #tpu.memory_space<vmem>>
    %dma_start3A_19 = arith.constant 0 : i32
    %dma_start3A_20 = arith.constant 0 : i32
    %dma_start3A_21 = tpu.memref_slice %arg3[%dma_start3A_19, %dma_start3A_20] : memref<100000x128xf32, #tpu.memory_space<hbm>> -> memref<100000x128xf32, #tpu.memory_space<hbm>>
    %dma_start3A_22 = tpu.memref_slice %arg10[%dma_start3A_11] : memref<2x!tpu.dma_semaphore, #tpu.memory_space<semaphore_mem>> -> memref<1x!tpu.dma_semaphore, #tpu.memory_space<semaphore_mem>>
    %dma_start3A_23 = tpu.memref_squeeze %dma_start3A_22 : memref<1x!tpu.dma_semaphore, #tpu.memory_space<semaphore_mem>> -> memref<!tpu.dma_semaphore, #tpu.memory_space<semaphore_mem>>
    tpu.enqueue_indirect_dma source(%dma_start3A_21 : memref<100000x128xf32, #tpu.memory_space<hbm>>) target(%dma_start3A_15 : memref<128x128xf32, #tpu.memory_space<vmem>>) offsets(%dma_start3A_18 : memref<128xi32, #tpu.memory_space<vmem>>) semaphore(%dma_start3A_23 : memref<!tpu.dma_semaphore, #tpu.memory_space<semaphore_mem>>)
    %iota3A = tpu.iota {dimensions = array<i32: 0>} : vector<16xi32>
    %scan3A = arith.constant 0 : i32
    %scan3A_24 = arith.constant 100 : i32
    %scan3A_25 = arith.addi %scan3A, %scan3A_24 : i32
    %scan3A_26 = arith.constant 1 : i32
    scf.for %scan3A_66 = %scan3A to %scan3A_25 step %scan3A_26  : i32 {
      %mul3A_67 = arith.constant 2 : i32
      %mul3A_68 = arith.muli %scan3A_66, %mul3A_67 : i32
      %add3A_69 = arith.constant 0 : i32
      %add3A_70 = arith.addi %mul3A_68, %add3A_69 : i32
      %dma_wait3A_71 = arith.constant 0 : i32
      %dma_wait3A_72 = arith.constant 0 : i32
      %dma_wait3A_73 = arith.constant 0 : i32
      %dma_wait3A_74 = arith.constant 0 : i32
      %dma_wait3A_75 = tpu.memref_slice %arg7[%dma_wait3A_71, %dma_wait3A_73, %dma_wait3A_74] : memref<2x128x128xf32, #tpu.memory_space<vmem>> -> memref<1x128x128xf32, #tpu.memory_space<vmem>>
      %dma_wait3A_76 = tpu.memref_squeeze %dma_wait3A_75 : memref<1x128x128xf32, #tpu.memory_space<vmem>> -> memref<128x128xf32, #tpu.memory_space<vmem>>
      %dma_wait3A_77 = arith.constant 0 : i32
      %dma_wait3A_78 = tpu.memref_slice %arg6[%add3A_70, %dma_wait3A_77] : memref<200x128xi32, #tpu.memory_space<vmem>> -> memref<1x128xi32, #tpu.memory_space<vmem>>
      %dma_wait3A_79 = tpu.memref_squeeze %dma_wait3A_78 : memref<1x128xi32, #tpu.memory_space<vmem>> -> memref<128xi32, #tpu.memory_space<vmem>>
      %dma_wait3A_80 = arith.constant 0 : i32
      %dma_wait3A_81 = arith.constant 0 : i32
      %dma_wait3A_82 = tpu.memref_slice %arg3[%dma_wait3A_80, %dma_wait3A_81] : memref<100000x128xf32, #tpu.memory_space<hbm>> -> memref<100000x128xf32, #tpu.memory_space<hbm>>
      %dma_wait3A_83 = tpu.memref_slice %arg10[%dma_wait3A_72] : memref<2x!tpu.dma_semaphore, #tpu.memory_space<semaphore_mem>> -> memref<1x!tpu.dma_semaphore, #tpu.memory_space<semaphore_mem>>
      %dma_wait3A_84 = tpu.memref_squeeze %dma_wait3A_83 : memref<1x!tpu.dma_semaphore, #tpu.memory_space<semaphore_mem>> -> memref<!tpu.dma_semaphore, #tpu.memory_space<semaphore_mem>>
      tpu.wait_indirect_dma semaphore(%dma_wait3A_84 : memref<!tpu.dma_semaphore, #tpu.memory_space<semaphore_mem>>) src(%dma_wait3A_82 : memref<100000x128xf32, #tpu.memory_space<hbm>>) dst(%dma_wait3A_76 : memref<128x128xf32, #tpu.memory_space<vmem>>)
      %add3A_85 = arith.constant 1 : i32
      %add3A_86 = arith.addi %add3A_70, %add3A_85 : i32
      %dma_start3A_87 = arith.constant 1 : i32
      %dma_start3A_88 = arith.constant 1 : i32
      %dma_start3A_89 = arith.constant 0 : i32
      %dma_start3A_90 = arith.constant 0 : i32
      %dma_start3A_91 = tpu.memref_slice %arg7[%dma_start3A_87, %dma_start3A_89, %dma_start3A_90] : memref<2x128x128xf32, #tpu.memory_space<vmem>> -> memref<1x128x128xf32, #tpu.memory_space<vmem>>
      %dma_start3A_92 = tpu.memref_squeeze %dma_start3A_91 : memref<1x128x128xf32, #tpu.memory_space<vmem>> -> memref<128x128xf32, #tpu.memory_space<vmem>>
      %dma_start3A_93 = arith.constant 0 : i32
      %dma_start3A_94 = tpu.memref_slice %arg6[%add3A_86, %dma_start3A_93] : memref<200x128xi32, #tpu.memory_space<vmem>> -> memref<1x128xi32, #tpu.memory_space<vmem>>
      %dma_start3A_95 = tpu.memref_squeeze %dma_start3A_94 : memref<1x128xi32, #tpu.memory_space<vmem>> -> memref<128xi32, #tpu.memory_space<vmem>>
      %dma_start3A_96 = arith.constant 0 : i32
      %dma_start3A_97 = arith.constant 0 : i32
      %dma_start3A_98 = tpu.memref_slice %arg3[%dma_start3A_96, %dma_start3A_97] : memref<100000x128xf32, #tpu.memory_space<hbm>> -> memref<100000x128xf32, #tpu.memory_space<hbm>>
      %dma_start3A_99 = tpu.memref_slice %arg10[%dma_start3A_88] : memref<2x!tpu.dma_semaphore, #tpu.memory_space<semaphore_mem>> -> memref<1x!tpu.dma_semaphore, #tpu.memory_space<semaphore_mem>>
      %dma_start3A_100 = tpu.memref_squeeze %dma_start3A_99 : memref<1x!tpu.dma_semaphore, #tpu.memory_space<semaphore_mem>> -> memref<!tpu.dma_semaphore, #tpu.memory_space<semaphore_mem>>
      tpu.enqueue_indirect_dma source(%dma_start3A_98 : memref<100000x128xf32, #tpu.memory_space<hbm>>) target(%dma_start3A_92 : memref<128x128xf32, #tpu.memory_space<vmem>>) offsets(%dma_start3A_95 : memref<128xi32, #tpu.memory_space<vmem>>) semaphore(%dma_start3A_100 : memref<!tpu.dma_semaphore, #tpu.memory_space<semaphore_mem>>)
      %gt3A = arith.constant 0 : i32
      %gt3A_101 = arith.cmpi sgt, %scan3A_66, %gt3A : i32
      %convert_element_type3A = arith.extui %gt3A_101 : i1 to i32
      %cond3A = arith.constant 0 : i32
      %cond3A_102 = arith.cmpi ne, %convert_element_type3A, %cond3A : i32
      scf.if %cond3A_102 {
        %dma_wait3A_342 = arith.constant 0 : i32
        %dma_wait3A_343 = arith.constant 0 : i32
        %dma_wait3A_344 = arith.constant 0 : i32
        %dma_wait3A_345 = arith.constant 0 : i32
        %dma_wait3A_346 = arith.constant 0 : i32
        %dma_wait3A_347 = tpu.memref_slice %arg8[%dma_wait3A_342, %dma_wait3A_345, %dma_wait3A_346] : memref<2x64x128xf32, #tpu.memory_space<vmem>> -> memref<1x64x128xf32, #tpu.memory_space<vmem>>
        %dma_wait3A_348 = tpu.memref_squeeze %dma_wait3A_347 : memref<1x64x128xf32, #tpu.memory_space<vmem>> -> memref<64x128xf32, #tpu.memory_space<vmem>>
        %dma_wait3A_349 = arith.constant 0 : i32
        %dma_wait3A_350 = tpu.memref_slice %arg5[%dma_wait3A_343, %dma_wait3A_349, %mul3A_2] : memref<200x64x4096xf32, #tpu.memory_space<hbm>> -> memref<1x64x128xf32, #tpu.memory_space<hbm>>
        %dma_wait3A_351 = tpu.memref_squeeze %dma_wait3A_350 : memref<1x64x128xf32, #tpu.memory_space<hbm>> -> memref<64x128xf32, #tpu.memory_space<hbm>>
        %dma_wait3A_352 = tpu.memref_slice %arg11[%dma_wait3A_344] : memref<2x!tpu.dma_semaphore, #tpu.memory_space<semaphore_mem>> -> memref<1x!tpu.dma_semaphore, #tpu.memory_space<semaphore_mem>>
        %dma_wait3A_353 = tpu.memref_squeeze %dma_wait3A_352 : memref<1x!tpu.dma_semaphore, #tpu.memory_space<semaphore_mem>> -> memref<!tpu.dma_semaphore, #tpu.memory_space<semaphore_mem>>
        %dma_wait3A_354 = arith.constant 0 : i32
        %dma_wait3A_355 = tpu.memref_slice %arg5[%dma_wait3A_343, %dma_wait3A_354, %mul3A_2] : memref<200x64x4096xf32, #tpu.memory_space<hbm>> -> memref<1x64x128xf32, #tpu.memory_space<hbm>>
        %dma_wait3A_356 = tpu.memref_squeeze %dma_wait3A_355 : memref<1x64x128xf32, #tpu.memory_space<hbm>> -> memref<64x128xf32, #tpu.memory_space<hbm>>
        %dma_wait3A_357 = arith.constant 0 : i32
        %dma_wait3A_358 = arith.constant 0 : i32
        %dma_wait3A_359 = tpu.memref_slice %arg8[%dma_wait3A_342, %dma_wait3A_357, %dma_wait3A_358] : memref<2x64x128xf32, #tpu.memory_space<vmem>> -> memref<1x64x128xf32, #tpu.memory_space<vmem>>
        %dma_wait3A_360 = tpu.memref_squeeze %dma_wait3A_359 : memref<1x64x128xf32, #tpu.memory_space<vmem>> -> memref<64x128xf32, #tpu.memory_space<vmem>>
        tpu.wait_dma2 semaphore(%dma_wait3A_353 : memref<!tpu.dma_semaphore, #tpu.memory_space<semaphore_mem>>) src(%dma_wait3A_360 : memref<64x128xf32, #tpu.memory_space<vmem>>) dst(%dma_wait3A_356 : memref<64x128xf32, #tpu.memory_space<hbm>>)
      } else {
      }
      %get3A = arith.index_cast %add3A_70 : i32 to index
      %get3A_103 = arith.constant 0 : index
      %get3A_104 = tpu.vector_load %arg6[%get3A, %get3A_103] {strides = array<i32>} : memref<200x128xi32, #tpu.memory_space<vmem>>, vector<16xi32>,
      %ne3A = arith.constant 0 : i32
      %ne3A_105 = vector.broadcast %ne3A : i32 to vector<16xi32>
      %ne3A_106 = arith.cmpi ne, %get3A_104, %ne3A_105 : vector<16xi32>
      %jit3A = arith.constant 8.000000e+00 : f32
      %jit3A_107 = arith.constant 0.000000e+00 : f32
      %broadcast_in_dim3A = vector.broadcast %jit3A : f32 to vector<16xf32>
      %broadcast_in_dim3A_108 = vector.broadcast %jit3A_107 : f32 to vector<16xf32>
      %select_n3A = arith.select %ne3A_106, %broadcast_in_dim3A, %broadcast_in_dim3A_108 : vector<16xi1>, vector<16xf32>
      %get3A_109 = arith.index_cast %add3A_70 : i32 to index
      %get3A_110 = arith.constant 16 : index
      %get3A_111 = tpu.vector_load %arg6[%get3A_109, %get3A_110] {strides = array<i32>} : memref<200x128xi32, #tpu.memory_space<vmem>>, vector<16xi32>,
      %ne3A_112 = arith.constant 0 : i32
      %ne3A_113 = vector.broadcast %ne3A_112 : i32 to vector<16xi32>
      %ne3A_114 = arith.cmpi ne, %get3A_111, %ne3A_113 : vector<16xi32>
      %jit3A_115 = arith.constant 8.000000e+00 : f32
      %jit3A_116 = arith.constant 0.000000e+00 : f32
      %broadcast_in_dim3A_117 = vector.broadcast %jit3A_115 : f32 to vector<16xf32>
      %broadcast_in_dim3A_118 = vector.broadcast %jit3A_116 : f32 to vector<16xf32>
      %select_n3A_119 = arith.select %ne3A_114, %broadcast_in_dim3A_117, %broadcast_in_dim3A_118 : vector<16xi1>, vector<16xf32>
      %get3A_120 = arith.index_cast %add3A_70 : i32 to index
      %get3A_121 = arith.constant 32 : index
      %get3A_122 = tpu.vector_load %arg6[%get3A_120, %get3A_121] {strides = array<i32>} : memref<200x128xi32, #tpu.memory_space<vmem>>, vector<16xi32>,
      %ne3A_123 = arith.constant 0 : i32
      %ne3A_124 = vector.broadcast %ne3A_123 : i32 to vector<16xi32>
      %ne3A_125 = arith.cmpi ne, %get3A_122, %ne3A_124 : vector<16xi32>
      %jit3A_126 = arith.constant 8.000000e+00 : f32
      %jit3A_127 = arith.constant 0.000000e+00 : f32
      %broadcast_in_dim3A_128 = vector.broadcast %jit3A_126 : f32 to vector<16xf32>
      %broadcast_in_dim3A_129 = vector.broadcast %jit3A_127 : f32 to vector<16xf32>
      %select_n3A_130 = arith.select %ne3A_125, %broadcast_in_dim3A_128, %broadcast_in_dim3A_129 : vector<16xi1>, vector<16xf32>
      %get3A_131 = arith.index_cast %add3A_70 : i32 to index
      %get3A_132 = arith.constant 48 : index
      %get3A_133 = tpu.vector_load %arg6[%get3A_131, %get3A_132] {strides = array<i32>} : memref<200x128xi32, #tpu.memory_space<vmem>>, vector<16xi32>,
      %ne3A_134 = arith.constant 0 : i32
      %ne3A_135 = vector.broadcast %ne3A_134 : i32 to vector<16xi32>
      %ne3A_136 = arith.cmpi ne, %get3A_133, %ne3A_135 : vector<16xi32>
      %jit3A_137 = arith.constant 8.000000e+00 : f32
      %jit3A_138 = arith.constant 0.000000e+00 : f32
      %broadcast_in_dim3A_139 = vector.broadcast %jit3A_137 : f32 to vector<16xf32>
      %broadcast_in_dim3A_140 = vector.broadcast %jit3A_138 : f32 to vector<16xf32>
      %select_n3A_141 = arith.select %ne3A_136, %broadcast_in_dim3A_139, %broadcast_in_dim3A_140 : vector<16xi1>, vector<16xf32>
      %get3A_142 = arith.index_cast %add3A_70 : i32 to index
      %get3A_143 = arith.constant 64 : index
      %get3A_144 = tpu.vector_load %arg6[%get3A_142, %get3A_143] {strides = array<i32>} : memref<200x128xi32, #tpu.memory_space<vmem>>, vector<16xi32>,
      %ne3A_145 = arith.constant 0 : i32
      %ne3A_146 = vector.broadcast %ne3A_145 : i32 to vector<16xi32>
      %ne3A_147 = arith.cmpi ne, %get3A_144, %ne3A_146 : vector<16xi32>
      %jit3A_148 = arith.constant 8.000000e+00 : f32
      %jit3A_149 = arith.constant 0.000000e+00 : f32
      %broadcast_in_dim3A_150 = vector.broadcast %jit3A_148 : f32 to vector<16xf32>
      %broadcast_in_dim3A_151 = vector.broadcast %jit3A_149 : f32 to vector<16xf32>
      %select_n3A_152 = arith.select %ne3A_147, %broadcast_in_dim3A_150, %broadcast_in_dim3A_151 : vector<16xi1>, vector<16xf32>
      %get3A_153 = arith.index_cast %add3A_70 : i32 to index
      %get3A_154 = arith.constant 80 : index
      %get3A_155 = tpu.vector_load %arg6[%get3A_153, %get3A_154] {strides = array<i32>} : memref<200x128xi32, #tpu.memory_space<vmem>>, vector<16xi32>,
      %ne3A_156 = arith.constant 0 : i32
      %ne3A_157 = vector.broadcast %ne3A_156 : i32 to vector<16xi32>
      %ne3A_158 = arith.cmpi ne, %get3A_155, %ne3A_157 : vector<16xi32>
      %jit3A_159 = arith.constant 8.000000e+00 : f32
      %jit3A_160 = arith.constant 0.000000e+00 : f32
      %broadcast_in_dim3A_161 = vector.broadcast %jit3A_159 : f32 to vector<16xf32>
      %broadcast_in_dim3A_162 = vector.broadcast %jit3A_160 : f32 to vector<16xf32>
      %select_n3A_163 = arith.select %ne3A_158, %broadcast_in_dim3A_161, %broadcast_in_dim3A_162 : vector<16xi1>, vector<16xf32>
      %get3A_164 = arith.index_cast %add3A_70 : i32 to index
      %get3A_165 = arith.constant 96 : index
      %get3A_166 = tpu.vector_load %arg6[%get3A_164, %get3A_165] {strides = array<i32>} : memref<200x128xi32, #tpu.memory_space<vmem>>, vector<16xi32>,
      %ne3A_167 = arith.constant 0 : i32
      %ne3A_168 = vector.broadcast %ne3A_167 : i32 to vector<16xi32>
      %ne3A_169 = arith.cmpi ne, %get3A_166, %ne3A_168 : vector<16xi32>
      %jit3A_170 = arith.constant 8.000000e+00 : f32
      %jit3A_171 = arith.constant 0.000000e+00 : f32
      %broadcast_in_dim3A_172 = vector.broadcast %jit3A_170 : f32 to vector<16xf32>
      %broadcast_in_dim3A_173 = vector.broadcast %jit3A_171 : f32 to vector<16xf32>
      %select_n3A_174 = arith.select %ne3A_169, %broadcast_in_dim3A_172, %broadcast_in_dim3A_173 : vector<16xi1>, vector<16xf32>
      %get3A_175 = arith.index_cast %add3A_70 : i32 to index
      %get3A_176 = arith.constant 112 : index
      %get3A_177 = tpu.vector_load %arg6[%get3A_175, %get3A_176] {strides = array<i32>} : memref<200x128xi32, #tpu.memory_space<vmem>>, vector<16xi32>,
      %ne3A_178 = arith.constant 0 : i32
      %ne3A_179 = vector.broadcast %ne3A_178 : i32 to vector<16xi32>
      %ne3A_180 = arith.cmpi ne, %get3A_177, %ne3A_179 : vector<16xi32>
      %jit3A_181 = arith.constant 8.000000e+00 : f32
      %jit3A_182 = arith.constant 0.000000e+00 : f32
      %broadcast_in_dim3A_183 = vector.broadcast %jit3A_181 : f32 to vector<16xf32>
      %broadcast_in_dim3A_184 = vector.broadcast %jit3A_182 : f32 to vector<16xf32>
      %select_n3A_185 = arith.select %ne3A_180, %broadcast_in_dim3A_183, %broadcast_in_dim3A_184 : vector<16xi1>, vector<16xf32>
      %parallel_loop3A = arith.constant 0 : i32
      %parallel_loop3A_186 = arith.constant 64 : i32
      %parallel_loop3A_187 = arith.constant 1 : i32
      scf.for %parallel_loop3A_342 = %parallel_loop3A to %parallel_loop3A_186 step %parallel_loop3A_187  : i32 {
        %parallel_loop3A_343 = arith.constant 64 : i32
        %parallel_loop3A_344 = arith.muli %add3A_70, %parallel_loop3A_343 : i32
        %parallel_loop3A_345 = arith.addi %parallel_loop3A_344, %parallel_loop3A_342 : i32
        %parallel_loop3A_346 = vector.broadcast %parallel_loop3A_345 : i32 to vector<16xi32>
        %parallel_loop3A_347 = tpu.vector_load_idx %arg9[%parallel_loop3A_346] : memref<12800xf32, #tpu.memory_space<vmem>>[vector<16xi32>], vector<16xf32>,
        %parallel_loop3A_348 = arith.constant 0 : i32
        %parallel_loop3A_349 = vector.broadcast %parallel_loop3A_348 : i32 to vector<16xi32>
        %parallel_loop3A_350 = arith.addi %iota3A, %parallel_loop3A_349 : vector<16xi32>
        %parallel_loop3A_351 = vector.broadcast %parallel_loop3A_342 : i32 to vector<16xi32>
        %parallel_loop3A_352 = arith.constant 0 : i32
        %parallel_loop3A_353 = arith.constant 0 : i32
        %parallel_loop3A_354 = arith.constant 0 : i32
        %parallel_loop3A_355 = tpu.memref_slice %arg7[%parallel_loop3A_352, %parallel_loop3A_353, %parallel_loop3A_354] : memref<2x128x128xf32, #tpu.memory_space<vmem>> -> memref<1x128x128xf32, #tpu.memory_space<vmem>>
        %parallel_loop3A_356 = tpu.memref_squeeze %parallel_loop3A_355 : memref<1x128x128xf32, #tpu.memory_space<vmem>> -> memref<128x128xf32, #tpu.memory_space<vmem>>
        %parallel_loop3A_357 = tpu.vector_load_idx %parallel_loop3A_356[%parallel_loop3A_350, %parallel_loop3A_351] : memref<128x128xf32, #tpu.memory_space<vmem>>[vector<16xi32>, vector<16xi32>], vector<16xf32>,
        %parallel_loop3A_358 = arith.mulf %parallel_loop3A_357, %select_n3A : vector<16xf32>
        %parallel_loop3A_359 = arith.addf %parallel_loop3A_358, %parallel_loop3A_347 : vector<16xf32>
        %parallel_loop3A_360 = arith.constant 0 : i32
        %parallel_loop3A_361 = arith.index_cast %parallel_loop3A_360 : i32 to index
        %parallel_loop3A_362 = arith.index_cast %parallel_loop3A_342 : i32 to index
        %parallel_loop3A_363 = arith.constant 0 : index
        %parallel_loop3A_364 = tpu.vector_load %arg8[%parallel_loop3A_361, %parallel_loop3A_362, %parallel_loop3A_363] {strides = array<i32>} : memref<2x64x128xf32, #tpu.memory_space<vmem>>, vector<16xf32>,
        tpu.vector_store %arg8[%parallel_loop3A_361, %parallel_loop3A_362, %parallel_loop3A_363], %parallel_loop3A_359 {strides = array<i32>} : memref<2x64x128xf32, #tpu.memory_space<vmem>>, vector<16xf32>,
        %parallel_loop3A_365 = arith.constant 16 : i32
        %parallel_loop3A_366 = vector.broadcast %parallel_loop3A_365 : i32 to vector<16xi32>
        %parallel_loop3A_367 = arith.addi %iota3A, %parallel_loop3A_366 : vector<16xi32>
        %parallel_loop3A_368 = vector.broadcast %parallel_loop3A_342 : i32 to vector<16xi32>
        %parallel_loop3A_369 = arith.constant 0 : i32
        %parallel_loop3A_370 = arith.constant 0 : i32
        %parallel_loop3A_371 = arith.constant 0 : i32
        %parallel_loop3A_372 = tpu.memref_slice %arg7[%parallel_loop3A_369, %parallel_loop3A_370, %parallel_loop3A_371] : memref<2x128x128xf32, #tpu.memory_space<vmem>> -> memref<1x128x128xf32, #tpu.memory_space<vmem>>
        %parallel_loop3A_373 = tpu.memref_squeeze %parallel_loop3A_372 : memref<1x128x128xf32, #tpu.memory_space<vmem>> -> memref<128x128xf32, #tpu.memory_space<vmem>>
        %parallel_loop3A_374 = tpu.vector_load_idx %parallel_loop3A_373[%parallel_loop3A_367, %parallel_loop3A_368] : memref<128x128xf32, #tpu.memory_space<vmem>>[vector<16xi32>, vector<16xi32>], vector<16xf32>,
        %parallel_loop3A_375 = arith.mulf %parallel_loop3A_374, %select_n3A_119 : vector<16xf32>
        %parallel_loop3A_376 = arith.addf %parallel_loop3A_375, %parallel_loop3A_347 : vector<16xf32>
        %parallel_loop3A_377 = arith.constant 0 : i32
        %parallel_loop3A_378 = arith.index_cast %parallel_loop3A_377 : i32 to index
        %parallel_loop3A_379 = arith.index_cast %parallel_loop3A_342 : i32 to index
        %parallel_loop3A_380 = arith.constant 16 : index
        %parallel_loop3A_381 = tpu.vector_load %arg8[%parallel_loop3A_378, %parallel_loop3A_379, %parallel_loop3A_380] {strides = array<i32>} : memref<2x64x128xf32, #tpu.memory_space<vmem>>, vector<16xf32>,
        tpu.vector_store %arg8[%parallel_loop3A_378, %parallel_loop3A_379, %parallel_loop3A_380], %parallel_loop3A_376 {strides = array<i32>} : memref<2x64x128xf32, #tpu.memory_space<vmem>>, vector<16xf32>,
        %parallel_loop3A_382 = arith.constant 32 : i32
        %parallel_loop3A_383 = vector.broadcast %parallel_loop3A_382 : i32 to vector<16xi32>
        %parallel_loop3A_384 = arith.addi %iota3A, %parallel_loop3A_383 : vector<16xi32>
        %parallel_loop3A_385 = vector.broadcast %parallel_loop3A_342 : i32 to vector<16xi32>
        %parallel_loop3A_386 = arith.constant 0 : i32
        %parallel_loop3A_387 = arith.constant 0 : i32
        %parallel_loop3A_388 = arith.constant 0 : i32
        %parallel_loop3A_389 = tpu.memref_slice %arg7[%parallel_loop3A_386, %parallel_loop3A_387, %parallel_loop3A_388] : memref<2x128x128xf32, #tpu.memory_space<vmem>> -> memref<1x128x128xf32, #tpu.memory_space<vmem>>
        %parallel_loop3A_390 = tpu.memref_squeeze %parallel_loop3A_389 : memref<1x128x128xf32, #tpu.memory_space<vmem>> -> memref<128x128xf32, #tpu.memory_space<vmem>>
        %parallel_loop3A_391 = tpu.vector_load_idx %parallel_loop3A_390[%parallel_loop3A_384, %parallel_loop3A_385] : memref<128x128xf32, #tpu.memory_space<vmem>>[vector<16xi32>, vector<16xi32>], vector<16xf32>,
        %parallel_loop3A_392 = arith.mulf %parallel_loop3A_391, %select_n3A_130 : vector<16xf32>
        %parallel_loop3A_393 = arith.addf %parallel_loop3A_392, %parallel_loop3A_347 : vector<16xf32>
        %parallel_loop3A_394 = arith.constant 0 : i32
        %parallel_loop3A_395 = arith.index_cast %parallel_loop3A_394 : i32 to index
        %parallel_loop3A_396 = arith.index_cast %parallel_loop3A_342 : i32 to index
        %parallel_loop3A_397 = arith.constant 32 : index
        %parallel_loop3A_398 = tpu.vector_load %arg8[%parallel_loop3A_395, %parallel_loop3A_396, %parallel_loop3A_397] {strides = array<i32>} : memref<2x64x128xf32, #tpu.memory_space<vmem>>, vector<16xf32>,
        tpu.vector_store %arg8[%parallel_loop3A_395, %parallel_loop3A_396, %parallel_loop3A_397], %parallel_loop3A_393 {strides = array<i32>} : memref<2x64x128xf32, #tpu.memory_space<vmem>>, vector<16xf32>,
        %parallel_loop3A_399 = arith.constant 48 : i32
        %parallel_loop3A_400 = vector.broadcast %parallel_loop3A_399 : i32 to vector<16xi32>
        %parallel_loop3A_401 = arith.addi %iota3A, %parallel_loop3A_400 : vector<16xi32>
        %parallel_loop3A_402 = vector.broadcast %parallel_loop3A_342 : i32 to vector<16xi32>
        %parallel_loop3A_403 = arith.constant 0 : i32
        %parallel_loop3A_404 = arith.constant 0 : i32
        %parallel_loop3A_405 = arith.constant 0 : i32
        %parallel_loop3A_406 = tpu.memref_slice %arg7[%parallel_loop3A_403, %parallel_loop3A_404, %parallel_loop3A_405] : memref<2x128x128xf32, #tpu.memory_space<vmem>> -> memref<1x128x128xf32, #tpu.memory_space<vmem>>
        %parallel_loop3A_407 = tpu.memref_squeeze %parallel_loop3A_406 : memref<1x128x128xf32, #tpu.memory_space<vmem>> -> memref<128x128xf32, #tpu.memory_space<vmem>>
        %parallel_loop3A_408 = tpu.vector_load_idx %parallel_loop3A_407[%parallel_loop3A_401, %parallel_loop3A_402] : memref<128x128xf32, #tpu.memory_space<vmem>>[vector<16xi32>, vector<16xi32>], vector<16xf32>,
        %parallel_loop3A_409 = arith.mulf %parallel_loop3A_408, %select_n3A_141 : vector<16xf32>
        %parallel_loop3A_410 = arith.addf %parallel_loop3A_409, %parallel_loop3A_347 : vector<16xf32>
        %parallel_loop3A_411 = arith.constant 0 : i32
        %parallel_loop3A_412 = arith.index_cast %parallel_loop3A_411 : i32 to index
        %parallel_loop3A_413 = arith.index_cast %parallel_loop3A_342 : i32 to index
        %parallel_loop3A_414 = arith.constant 48 : index
        %parallel_loop3A_415 = tpu.vector_load %arg8[%parallel_loop3A_412, %parallel_loop3A_413, %parallel_loop3A_414] {strides = array<i32>} : memref<2x64x128xf32, #tpu.memory_space<vmem>>, vector<16xf32>,
        tpu.vector_store %arg8[%parallel_loop3A_412, %parallel_loop3A_413, %parallel_loop3A_414], %parallel_loop3A_410 {strides = array<i32>} : memref<2x64x128xf32, #tpu.memory_space<vmem>>, vector<16xf32>,
        %parallel_loop3A_416 = arith.constant 64 : i32
        %parallel_loop3A_417 = vector.broadcast %parallel_loop3A_416 : i32 to vector<16xi32>
        %parallel_loop3A_418 = arith.addi %iota3A, %parallel_loop3A_417 : vector<16xi32>
        %parallel_loop3A_419 = vector.broadcast %parallel_loop3A_342 : i32 to vector<16xi32>
        %parallel_loop3A_420 = arith.constant 0 : i32
        %parallel_loop3A_421 = arith.constant 0 : i32
        %parallel_loop3A_422 = arith.constant 0 : i32
        %parallel_loop3A_423 = tpu.memref_slice %arg7[%parallel_loop3A_420, %parallel_loop3A_421, %parallel_loop3A_422] : memref<2x128x128xf32, #tpu.memory_space<vmem>> -> memref<1x128x128xf32, #tpu.memory_space<vmem>>
        %parallel_loop3A_424 = tpu.memref_squeeze %parallel_loop3A_423 : memref<1x128x128xf32, #tpu.memory_space<vmem>> -> memref<128x128xf32, #tpu.memory_space<vmem>>
        %parallel_loop3A_425 = tpu.vector_load_idx %parallel_loop3A_424[%parallel_loop3A_418, %parallel_loop3A_419] : memref<128x128xf32, #tpu.memory_space<vmem>>[vector<16xi32>, vector<16xi32>], vector<16xf32>,
        %parallel_loop3A_426 = arith.mulf %parallel_loop3A_425, %select_n3A_152 : vector<16xf32>
        %parallel_loop3A_427 = arith.addf %parallel_loop3A_426, %parallel_loop3A_347 : vector<16xf32>
        %parallel_loop3A_428 = arith.constant 0 : i32
        %parallel_loop3A_429 = arith.index_cast %parallel_loop3A_428 : i32 to index
        %parallel_loop3A_430 = arith.index_cast %parallel_loop3A_342 : i32 to index
        %parallel_loop3A_431 = arith.constant 64 : index
        %parallel_loop3A_432 = tpu.vector_load %arg8[%parallel_loop3A_429, %parallel_loop3A_430, %parallel_loop3A_431] {strides = array<i32>} : memref<2x64x128xf32, #tpu.memory_space<vmem>>, vector<16xf32>,
        tpu.vector_store %arg8[%parallel_loop3A_429, %parallel_loop3A_430, %parallel_loop3A_431], %parallel_loop3A_427 {strides = array<i32>} : memref<2x64x128xf32, #tpu.memory_space<vmem>>, vector<16xf32>,
        %parallel_loop3A_433 = arith.constant 80 : i32
        %parallel_loop3A_434 = vector.broadcast %parallel_loop3A_433 : i32 to vector<16xi32>
        %parallel_loop3A_435 = arith.addi %iota3A, %parallel_loop3A_434 : vector<16xi32>
        %parallel_loop3A_436 = vector.broadcast %parallel_loop3A_342 : i32 to vector<16xi32>
        %parallel_loop3A_437 = arith.constant 0 : i32
        %parallel_loop3A_438 = arith.constant 0 : i32
        %parallel_loop3A_439 = arith.constant 0 : i32
        %parallel_loop3A_440 = tpu.memref_slice %arg7[%parallel_loop3A_437, %parallel_loop3A_438, %parallel_loop3A_439] : memref<2x128x128xf32, #tpu.memory_space<vmem>> -> memref<1x128x128xf32, #tpu.memory_space<vmem>>
        %parallel_loop3A_441 = tpu.memref_squeeze %parallel_loop3A_440 : memref<1x128x128xf32, #tpu.memory_space<vmem>> -> memref<128x128xf32, #tpu.memory_space<vmem>>
        %parallel_loop3A_442 = tpu.vector_load_idx %parallel_loop3A_441[%parallel_loop3A_435, %parallel_loop3A_436] : memref<128x128xf32, #tpu.memory_space<vmem>>[vector<16xi32>, vector<16xi32>], vector<16xf32>,
        %parallel_loop3A_443 = arith.mulf %parallel_loop3A_442, %select_n3A_163 : vector<16xf32>
        %parallel_loop3A_444 = arith.addf %parallel_loop3A_443, %parallel_loop3A_347 : vector<16xf32>
        %parallel_loop3A_445 = arith.constant 0 : i32
        %parallel_loop3A_446 = arith.index_cast %parallel_loop3A_445 : i32 to index
        %parallel_loop3A_447 = arith.index_cast %parallel_loop3A_342 : i32 to index
        %parallel_loop3A_448 = arith.constant 80 : index
        %parallel_loop3A_449 = tpu.vector_load %arg8[%parallel_loop3A_446, %parallel_loop3A_447, %parallel_loop3A_448] {strides = array<i32>} : memref<2x64x128xf32, #tpu.memory_space<vmem>>, vector<16xf32>,
        tpu.vector_store %arg8[%parallel_loop3A_446, %parallel_loop3A_447, %parallel_loop3A_448], %parallel_loop3A_444 {strides = array<i32>} : memref<2x64x128xf32, #tpu.memory_space<vmem>>, vector<16xf32>,
        %parallel_loop3A_450 = arith.constant 96 : i32
        %parallel_loop3A_451 = vector.broadcast %parallel_loop3A_450 : i32 to vector<16xi32>
        %parallel_loop3A_452 = arith.addi %iota3A, %parallel_loop3A_451 : vector<16xi32>
        %parallel_loop3A_453 = vector.broadcast %parallel_loop3A_342 : i32 to vector<16xi32>
        %parallel_loop3A_454 = arith.constant 0 : i32
        %parallel_loop3A_455 = arith.constant 0 : i32
        %parallel_loop3A_456 = arith.constant 0 : i32
        %parallel_loop3A_457 = tpu.memref_slice %arg7[%parallel_loop3A_454, %parallel_loop3A_455, %parallel_loop3A_456] : memref<2x128x128xf32, #tpu.memory_space<vmem>> -> memref<1x128x128xf32, #tpu.memory_space<vmem>>
        %parallel_loop3A_458 = tpu.memref_squeeze %parallel_loop3A_457 : memref<1x128x128xf32, #tpu.memory_space<vmem>> -> memref<128x128xf32, #tpu.memory_space<vmem>>
        %parallel_loop3A_459 = tpu.vector_load_idx %parallel_loop3A_458[%parallel_loop3A_452, %parallel_loop3A_453] : memref<128x128xf32, #tpu.memory_space<vmem>>[vector<16xi32>, vector<16xi32>], vector<16xf32>,
        %parallel_loop3A_460 = arith.mulf %parallel_loop3A_459, %select_n3A_174 : vector<16xf32>
        %parallel_loop3A_461 = arith.addf %parallel_loop3A_460, %parallel_loop3A_347 : vector<16xf32>
        %parallel_loop3A_462 = arith.constant 0 : i32
        %parallel_loop3A_463 = arith.index_cast %parallel_loop3A_462 : i32 to index
        %parallel_loop3A_464 = arith.index_cast %parallel_loop3A_342 : i32 to index
        %parallel_loop3A_465 = arith.constant 96 : index
        %parallel_loop3A_466 = tpu.vector_load %arg8[%parallel_loop3A_463, %parallel_loop3A_464, %parallel_loop3A_465] {strides = array<i32>} : memref<2x64x128xf32, #tpu.memory_space<vmem>>, vector<16xf32>,
        tpu.vector_store %arg8[%parallel_loop3A_463, %parallel_loop3A_464, %parallel_loop3A_465], %parallel_loop3A_461 {strides = array<i32>} : memref<2x64x128xf32, #tpu.memory_space<vmem>>, vector<16xf32>,
        %parallel_loop3A_467 = arith.constant 112 : i32
        %parallel_loop3A_468 = vector.broadcast %parallel_loop3A_467 : i32 to vector<16xi32>
        %parallel_loop3A_469 = arith.addi %iota3A, %parallel_loop3A_468 : vector<16xi32>
        %parallel_loop3A_470 = vector.broadcast %parallel_loop3A_342 : i32 to vector<16xi32>
        %parallel_loop3A_471 = arith.constant 0 : i32
        %parallel_loop3A_472 = arith.constant 0 : i32
        %parallel_loop3A_473 = arith.constant 0 : i32
        %parallel_loop3A_474 = tpu.memref_slice %arg7[%parallel_loop3A_471, %parallel_loop3A_472, %parallel_loop3A_473] : memref<2x128x128xf32, #tpu.memory_space<vmem>> -> memref<1x128x128xf32, #tpu.memory_space<vmem>>
        %parallel_loop3A_475 = tpu.memref_squeeze %parallel_loop3A_474 : memref<1x128x128xf32, #tpu.memory_space<vmem>> -> memref<128x128xf32, #tpu.memory_space<vmem>>
        %parallel_loop3A_476 = tpu.vector_load_idx %parallel_loop3A_475[%parallel_loop3A_469, %parallel_loop3A_470] : memref<128x128xf32, #tpu.memory_space<vmem>>[vector<16xi32>, vector<16xi32>], vector<16xf32>,
        %parallel_loop3A_477 = arith.mulf %parallel_loop3A_476, %select_n3A_185 : vector<16xf32>
        %parallel_loop3A_478 = arith.addf %parallel_loop3A_477, %parallel_loop3A_347 : vector<16xf32>
        %parallel_loop3A_479 = arith.constant 0 : i32
        %parallel_loop3A_480 = arith.index_cast %parallel_loop3A_479 : i32 to index
        %parallel_loop3A_481 = arith.index_cast %parallel_loop3A_342 : i32 to index
        %parallel_loop3A_482 = arith.constant 112 : index
        %parallel_loop3A_483 = tpu.vector_load %arg8[%parallel_loop3A_480, %parallel_loop3A_481, %parallel_loop3A_482] {strides = array<i32>} : memref<2x64x128xf32, #tpu.memory_space<vmem>>, vector<16xf32>,
        tpu.vector_store %arg8[%parallel_loop3A_480, %parallel_loop3A_481, %parallel_loop3A_482], %parallel_loop3A_478 {strides = array<i32>} : memref<2x64x128xf32, #tpu.memory_space<vmem>>, vector<16xf32>,
      } {sc.loop_unroll_factor = 4 : i64, sc.parallel_access}
      %dma_start3A_188 = arith.constant 0 : i32
      %dma_start3A_189 = arith.constant 0 : i32
      %dma_start3A_190 = arith.constant 0 : i32
      %dma_start3A_191 = arith.constant 0 : i32
      %dma_start3A_192 = tpu.memref_slice %arg8[%dma_start3A_188, %dma_start3A_190, %dma_start3A_191] : memref<2x64x128xf32, #tpu.memory_space<vmem>> -> memref<1x64x128xf32, #tpu.memory_space<vmem>>
      %dma_start3A_193 = tpu.memref_squeeze %dma_start3A_192 : memref<1x64x128xf32, #tpu.memory_space<vmem>> -> memref<64x128xf32, #tpu.memory_space<vmem>>
      %dma_start3A_194 = arith.constant 0 : i32
      %dma_start3A_195 = tpu.memref_slice %arg5[%add3A_70, %dma_start3A_194, %mul3A_2] : memref<200x64x4096xf32, #tpu.memory_space<hbm>> -> memref<1x64x128xf32, #tpu.memory_space<hbm>>
      %dma_start3A_196 = tpu.memref_squeeze %dma_start3A_195 : memref<1x64x128xf32, #tpu.memory_space<hbm>> -> memref<64x128xf32, #tpu.memory_space<hbm>>
      %dma_start3A_197 = tpu.memref_slice %arg11[%dma_start3A_189] : memref<2x!tpu.dma_semaphore, #tpu.memory_space<semaphore_mem>> -> memref<1x!tpu.dma_semaphore, #tpu.memory_space<semaphore_mem>>
      %dma_start3A_198 = tpu.memref_squeeze %dma_start3A_197 : memref<1x!tpu.dma_semaphore, #tpu.memory_space<semaphore_mem>> -> memref<!tpu.dma_semaphore, #tpu.memory_space<semaphore_mem>>
      %dma_start3A_199 = arith.constant 0 : i32
      %dma_start3A_200 = tpu.memref_slice %arg5[%add3A_70, %dma_start3A_199, %mul3A_2] : memref<200x64x4096xf32, #tpu.memory_space<hbm>> -> memref<1x64x128xf32, #tpu.memory_space<hbm>>
      %dma_start3A_201 = tpu.memref_squeeze %dma_start3A_200 : memref<1x64x128xf32, #tpu.memory_space<hbm>> -> memref<64x128xf32, #tpu.memory_space<hbm>>
      %dma_start3A_202 = arith.constant 0 : i32
      %dma_start3A_203 = arith.constant 0 : i32
      %dma_start3A_204 = tpu.memref_slice %arg8[%dma_start3A_188, %dma_start3A_202, %dma_start3A_203] : memref<2x64x128xf32, #tpu.memory_space<vmem>> -> memref<1x64x128xf32, #tpu.memory_space<vmem>>
      %dma_start3A_205 = tpu.memref_squeeze %dma_start3A_204 : memref<1x64x128xf32, #tpu.memory_space<vmem>> -> memref<64x128xf32, #tpu.memory_space<vmem>>
      tpu.enqueue_dma source(%dma_start3A_205 : memref<64x128xf32, #tpu.memory_space<vmem>>) target(%dma_start3A_201 : memref<64x128xf32, #tpu.memory_space<hbm>>) target_semaphore(%dma_start3A_198 : memref<!tpu.dma_semaphore, #tpu.memory_space<semaphore_mem>>)
      %mul3A_206 = arith.constant 2 : i32
      %mul3A_207 = arith.muli %scan3A_66, %mul3A_206 : i32
      %add3A_208 = arith.constant 1 : i32
      %add3A_209 = arith.addi %mul3A_207, %add3A_208 : i32
      %dma_wait3A_210 = arith.constant 1 : i32
      %dma_wait3A_211 = arith.constant 1 : i32
      %dma_wait3A_212 = arith.constant 0 : i32
      %dma_wait3A_213 = arith.constant 0 : i32
      %dma_wait3A_214 = tpu.memref_slice %arg7[%dma_wait3A_210, %dma_wait3A_212, %dma_wait3A_213] : memref<2x128x128xf32, #tpu.memory_space<vmem>> -> memref<1x128x128xf32, #tpu.memory_space<vmem>>
      %dma_wait3A_215 = tpu.memref_squeeze %dma_wait3A_214 : memref<1x128x128xf32, #tpu.memory_space<vmem>> -> memref<128x128xf32, #tpu.memory_space<vmem>>
      %dma_wait3A_216 = arith.constant 0 : i32
      %dma_wait3A_217 = tpu.memref_slice %arg6[%add3A_209, %dma_wait3A_216] : memref<200x128xi32, #tpu.memory_space<vmem>> -> memref<1x128xi32, #tpu.memory_space<vmem>>
      %dma_wait3A_218 = tpu.memref_squeeze %dma_wait3A_217 : memref<1x128xi32, #tpu.memory_space<vmem>> -> memref<128xi32, #tpu.memory_space<vmem>>
      %dma_wait3A_219 = arith.constant 0 : i32
      %dma_wait3A_220 = arith.constant 0 : i32
      %dma_wait3A_221 = tpu.memref_slice %arg3[%dma_wait3A_219, %dma_wait3A_220] : memref<100000x128xf32, #tpu.memory_space<hbm>> -> memref<100000x128xf32, #tpu.memory_space<hbm>>
      %dma_wait3A_222 = tpu.memref_slice %arg10[%dma_wait3A_211] : memref<2x!tpu.dma_semaphore, #tpu.memory_space<semaphore_mem>> -> memref<1x!tpu.dma_semaphore, #tpu.memory_space<semaphore_mem>>
      %dma_wait3A_223 = tpu.memref_squeeze %dma_wait3A_222 : memref<1x!tpu.dma_semaphore, #tpu.memory_space<semaphore_mem>> -> memref<!tpu.dma_semaphore, #tpu.memory_space<semaphore_mem>>
      tpu.wait_indirect_dma semaphore(%dma_wait3A_223 : memref<!tpu.dma_semaphore, #tpu.memory_space<semaphore_mem>>) src(%dma_wait3A_221 : memref<100000x128xf32, #tpu.memory_space<hbm>>) dst(%dma_wait3A_215 : memref<128x128xf32, #tpu.memory_space<vmem>>)
      %lt3A = arith.constant 99 : i32
      %lt3A_224 = arith.cmpi slt, %scan3A_66, %lt3A : i32
      %convert_element_type3A_225 = arith.extui %lt3A_224 : i1 to i32
      %cond3A_226 = arith.constant 0 : i32
      %cond3A_227 = arith.cmpi ne, %convert_element_type3A_225, %cond3A_226 : i32
      scf.if %cond3A_227 {
        %add3A_342 = arith.constant 1 : i32
        %add3A_343 = arith.addi %add3A_209, %add3A_342 : i32
        %dma_start3A_344 = arith.constant 0 : i32
        %dma_start3A_345 = arith.constant 0 : i32
        %dma_start3A_346 = arith.constant 0 : i32
        %dma_start3A_347 = arith.constant 0 : i32
        %dma_start3A_348 = tpu.memref_slice %arg7[%dma_start3A_344, %dma_start3A_346, %dma_start3A_347] : memref<2x128x128xf32, #tpu.memory_space<vmem>> -> memref<1x128x128xf32, #tpu.memory_space<vmem>>
        %dma_start3A_349 = tpu.memref_squeeze %dma_start3A_348 : memref<1x128x128xf32, #tpu.memory_space<vmem>> -> memref<128x128xf32, #tpu.memory_space<vmem>>
        %dma_start3A_350 = arith.constant 0 : i32
        %dma_start3A_351 = tpu.memref_slice %arg6[%add3A_343, %dma_start3A_350] : memref<200x128xi32, #tpu.memory_space<vmem>> -> memref<1x128xi32, #tpu.memory_space<vmem>>
        %dma_start3A_352 = tpu.memref_squeeze %dma_start3A_351 : memref<1x128xi32, #tpu.memory_space<vmem>> -> memref<128xi32, #tpu.memory_space<vmem>>
        %dma_start3A_353 = arith.constant 0 : i32
        %dma_start3A_354 = arith.constant 0 : i32
        %dma_start3A_355 = tpu.memref_slice %arg3[%dma_start3A_353, %dma_start3A_354] : memref<100000x128xf32, #tpu.memory_space<hbm>> -> memref<100000x128xf32, #tpu.memory_space<hbm>>
        %dma_start3A_356 = tpu.memref_slice %arg10[%dma_start3A_345] : memref<2x!tpu.dma_semaphore, #tpu.memory_space<semaphore_mem>> -> memref<1x!tpu.dma_semaphore, #tpu.memory_space<semaphore_mem>>
        %dma_start3A_357 = tpu.memref_squeeze %dma_start3A_356 : memref<1x!tpu.dma_semaphore, #tpu.memory_space<semaphore_mem>> -> memref<!tpu.dma_semaphore, #tpu.memory_space<semaphore_mem>>
        tpu.enqueue_indirect_dma source(%dma_start3A_355 : memref<100000x128xf32, #tpu.memory_space<hbm>>) target(%dma_start3A_349 : memref<128x128xf32, #tpu.memory_space<vmem>>) offsets(%dma_start3A_352 : memref<128xi32, #tpu.memory_space<vmem>>) semaphore(%dma_start3A_357 : memref<!tpu.dma_semaphore, #tpu.memory_space<semaphore_mem>>)
      } else {
      }
      %gt3A_228 = arith.constant 0 : i32
      %gt3A_229 = arith.cmpi sgt, %scan3A_66, %gt3A_228 : i32
      %convert_element_type3A_230 = arith.extui %gt3A_229 : i1 to i32
      %cond3A_231 = arith.constant 0 : i32
      %cond3A_232 = arith.cmpi ne, %convert_element_type3A_230, %cond3A_231 : i32
      scf.if %cond3A_232 {
        %dma_wait3A_342 = arith.constant 1 : i32
        %dma_wait3A_343 = arith.constant 0 : i32
        %dma_wait3A_344 = arith.constant 1 : i32
        %dma_wait3A_345 = arith.constant 0 : i32
        %dma_wait3A_346 = arith.constant 0 : i32
        %dma_wait3A_347 = tpu.memref_slice %arg8[%dma_wait3A_342, %dma_wait3A_345, %dma_wait3A_346] : memref<2x64x128xf32, #tpu.memory_space<vmem>> -> memref<1x64x128xf32, #tpu.memory_space<vmem>>
        %dma_wait3A_348 = tpu.memref_squeeze %dma_wait3A_347 : memref<1x64x128xf32, #tpu.memory_space<vmem>> -> memref<64x128xf32, #tpu.memory_space<vmem>>
        %dma_wait3A_349 = arith.constant 0 : i32
        %dma_wait3A_350 = tpu.memref_slice %arg5[%dma_wait3A_343, %dma_wait3A_349, %mul3A_2] : memref<200x64x4096xf32, #tpu.memory_space<hbm>> -> memref<1x64x128xf32, #tpu.memory_space<hbm>>
        %dma_wait3A_351 = tpu.memref_squeeze %dma_wait3A_350 : memref<1x64x128xf32, #tpu.memory_space<hbm>> -> memref<64x128xf32, #tpu.memory_space<hbm>>
        %dma_wait3A_352 = tpu.memref_slice %arg11[%dma_wait3A_344] : memref<2x!tpu.dma_semaphore, #tpu.memory_space<semaphore_mem>> -> memref<1x!tpu.dma_semaphore, #tpu.memory_space<semaphore_mem>>
        %dma_wait3A_353 = tpu.memref_squeeze %dma_wait3A_352 : memref<1x!tpu.dma_semaphore, #tpu.memory_space<semaphore_mem>> -> memref<!tpu.dma_semaphore, #tpu.memory_space<semaphore_mem>>
        %dma_wait3A_354 = arith.constant 0 : i32
        %dma_wait3A_355 = tpu.memref_slice %arg5[%dma_wait3A_343, %dma_wait3A_354, %mul3A_2] : memref<200x64x4096xf32, #tpu.memory_space<hbm>> -> memref<1x64x128xf32, #tpu.memory_space<hbm>>
        %dma_wait3A_356 = tpu.memref_squeeze %dma_wait3A_355 : memref<1x64x128xf32, #tpu.memory_space<hbm>> -> memref<64x128xf32, #tpu.memory_space<hbm>>
        %dma_wait3A_357 = arith.constant 0 : i32
        %dma_wait3A_358 = arith.constant 0 : i32
        %dma_wait3A_359 = tpu.memref_slice %arg8[%dma_wait3A_342, %dma_wait3A_357, %dma_wait3A_358] : memref<2x64x128xf32, #tpu.memory_space<vmem>> -> memref<1x64x128xf32, #tpu.memory_space<vmem>>
        %dma_wait3A_360 = tpu.memref_squeeze %dma_wait3A_359 : memref<1x64x128xf32, #tpu.memory_space<vmem>> -> memref<64x128xf32, #tpu.memory_space<vmem>>
        tpu.wait_dma2 semaphore(%dma_wait3A_353 : memref<!tpu.dma_semaphore, #tpu.memory_space<semaphore_mem>>) src(%dma_wait3A_360 : memref<64x128xf32, #tpu.memory_space<vmem>>) dst(%dma_wait3A_356 : memref<64x128xf32, #tpu.memory_space<hbm>>)
      } else {
      }
      %get3A_233 = arith.index_cast %add3A_209 : i32 to index
      %get3A_234 = arith.constant 0 : index
      %get3A_235 = tpu.vector_load %arg6[%get3A_233, %get3A_234] {strides = array<i32>} : memref<200x128xi32, #tpu.memory_space<vmem>>, vector<16xi32>,
      %ne3A_236 = arith.constant 0 : i32
      %ne3A_237 = vector.broadcast %ne3A_236 : i32 to vector<16xi32>
      %ne3A_238 = arith.cmpi ne, %get3A_235, %ne3A_237 : vector<16xi32>
      %jit3A_239 = arith.constant 8.000000e+00 : f32
      %jit3A_240 = arith.constant 0.000000e+00 : f32
      %broadcast_in_dim3A_241 = vector.broadcast %jit3A_239 : f32 to vector<16xf32>
      %broadcast_in_dim3A_242 = vector.broadcast %jit3A_240 : f32 to vector<16xf32>
      %select_n3A_243 = arith.select %ne3A_238, %broadcast_in_dim3A_241, %broadcast_in_dim3A_242 : vector<16xi1>, vector<16xf32>
      %get3A_244 = arith.index_cast %add3A_209 : i32 to index
      %get3A_245 = arith.constant 16 : index
      %get3A_246 = tpu.vector_load %arg6[%get3A_244, %get3A_245] {strides = array<i32>} : memref<200x128xi32, #tpu.memory_space<vmem>>, vector<16xi32>,
      %ne3A_247 = arith.constant 0 : i32
      %ne3A_248 = vector.broadcast %ne3A_247 : i32 to vector<16xi32>
      %ne3A_249 = arith.cmpi ne, %get3A_246, %ne3A_248 : vector<16xi32>
      %jit3A_250 = arith.constant 8.000000e+00 : f32
      %jit3A_251 = arith.constant 0.000000e+00 : f32
      %broadcast_in_dim3A_252 = vector.broadcast %jit3A_250 : f32 to vector<16xf32>
      %broadcast_in_dim3A_253 = vector.broadcast %jit3A_251 : f32 to vector<16xf32>
      %select_n3A_254 = arith.select %ne3A_249, %broadcast_in_dim3A_252, %broadcast_in_dim3A_253 : vector<16xi1>, vector<16xf32>
      %get3A_255 = arith.index_cast %add3A_209 : i32 to index
      %get3A_256 = arith.constant 32 : index
      %get3A_257 = tpu.vector_load %arg6[%get3A_255, %get3A_256] {strides = array<i32>} : memref<200x128xi32, #tpu.memory_space<vmem>>, vector<16xi32>,
      %ne3A_258 = arith.constant 0 : i32
      %ne3A_259 = vector.broadcast %ne3A_258 : i32 to vector<16xi32>
      %ne3A_260 = arith.cmpi ne, %get3A_257, %ne3A_259 : vector<16xi32>
      %jit3A_261 = arith.constant 8.000000e+00 : f32
      %jit3A_262 = arith.constant 0.000000e+00 : f32
      %broadcast_in_dim3A_263 = vector.broadcast %jit3A_261 : f32 to vector<16xf32>
      %broadcast_in_dim3A_264 = vector.broadcast %jit3A_262 : f32 to vector<16xf32>
      %select_n3A_265 = arith.select %ne3A_260, %broadcast_in_dim3A_263, %broadcast_in_dim3A_264 : vector<16xi1>, vector<16xf32>
      %get3A_266 = arith.index_cast %add3A_209 : i32 to index
      %get3A_267 = arith.constant 48 : index
      %get3A_268 = tpu.vector_load %arg6[%get3A_266, %get3A_267] {strides = array<i32>} : memref<200x128xi32, #tpu.memory_space<vmem>>, vector<16xi32>,
      %ne3A_269 = arith.constant 0 : i32
      %ne3A_270 = vector.broadcast %ne3A_269 : i32 to vector<16xi32>
      %ne3A_271 = arith.cmpi ne, %get3A_268, %ne3A_270 : vector<16xi32>
      %jit3A_272 = arith.constant 8.000000e+00 : f32
      %jit3A_273 = arith.constant 0.000000e+00 : f32
      %broadcast_in_dim3A_274 = vector.broadcast %jit3A_272 : f32 to vector<16xf32>
      %broadcast_in_dim3A_275 = vector.broadcast %jit3A_273 : f32 to vector<16xf32>
      %select_n3A_276 = arith.select %ne3A_271, %broadcast_in_dim3A_274, %broadcast_in_dim3A_275 : vector<16xi1>, vector<16xf32>
      %get3A_277 = arith.index_cast %add3A_209 : i32 to index
      %get3A_278 = arith.constant 64 : index
      %get3A_279 = tpu.vector_load %arg6[%get3A_277, %get3A_278] {strides = array<i32>} : memref<200x128xi32, #tpu.memory_space<vmem>>, vector<16xi32>,
      %ne3A_280 = arith.constant 0 : i32
      %ne3A_281 = vector.broadcast %ne3A_280 : i32 to vector<16xi32>
      %ne3A_282 = arith.cmpi ne, %get3A_279, %ne3A_281 : vector<16xi32>
      %jit3A_283 = arith.constant 8.000000e+00 : f32
      %jit3A_284 = arith.constant 0.000000e+00 : f32
      %broadcast_in_dim3A_285 = vector.broadcast %jit3A_283 : f32 to vector<16xf32>
      %broadcast_in_dim3A_286 = vector.broadcast %jit3A_284 : f32 to vector<16xf32>
      %select_n3A_287 = arith.select %ne3A_282, %broadcast_in_dim3A_285, %broadcast_in_dim3A_286 : vector<16xi1>, vector<16xf32>
      %get3A_288 = arith.index_cast %add3A_209 : i32 to index
      %get3A_289 = arith.constant 80 : index
      %get3A_290 = tpu.vector_load %arg6[%get3A_288, %get3A_289] {strides = array<i32>} : memref<200x128xi32, #tpu.memory_space<vmem>>, vector<16xi32>,
      %ne3A_291 = arith.constant 0 : i32
      %ne3A_292 = vector.broadcast %ne3A_291 : i32 to vector<16xi32>
      %ne3A_293 = arith.cmpi ne, %get3A_290, %ne3A_292 : vector<16xi32>
      %jit3A_294 = arith.constant 8.000000e+00 : f32
      %jit3A_295 = arith.constant 0.000000e+00 : f32
      %broadcast_in_dim3A_296 = vector.broadcast %jit3A_294 : f32 to vector<16xf32>
      %broadcast_in_dim3A_297 = vector.broadcast %jit3A_295 : f32 to vector<16xf32>
      %select_n3A_298 = arith.select %ne3A_293, %broadcast_in_dim3A_296, %broadcast_in_dim3A_297 : vector<16xi1>, vector<16xf32>
      %get3A_299 = arith.index_cast %add3A_209 : i32 to index
      %get3A_300 = arith.constant 96 : index
      %get3A_301 = tpu.vector_load %arg6[%get3A_299, %get3A_300] {strides = array<i32>} : memref<200x128xi32, #tpu.memory_space<vmem>>, vector<16xi32>,
      %ne3A_302 = arith.constant 0 : i32
      %ne3A_303 = vector.broadcast %ne3A_302 : i32 to vector<16xi32>
      %ne3A_304 = arith.cmpi ne, %get3A_301, %ne3A_303 : vector<16xi32>
      %jit3A_305 = arith.constant 8.000000e+00 : f32
      %jit3A_306 = arith.constant 0.000000e+00 : f32
      %broadcast_in_dim3A_307 = vector.broadcast %jit3A_305 : f32 to vector<16xf32>
      %broadcast_in_dim3A_308 = vector.broadcast %jit3A_306 : f32 to vector<16xf32>
      %select_n3A_309 = arith.select %ne3A_304, %broadcast_in_dim3A_307, %broadcast_in_dim3A_308 : vector<16xi1>, vector<16xf32>
      %get3A_310 = arith.index_cast %add3A_209 : i32 to index
      %get3A_311 = arith.constant 112 : index
      %get3A_312 = tpu.vector_load %arg6[%get3A_310, %get3A_311] {strides = array<i32>} : memref<200x128xi32, #tpu.memory_space<vmem>>, vector<16xi32>,
      %ne3A_313 = arith.constant 0 : i32
      %ne3A_314 = vector.broadcast %ne3A_313 : i32 to vector<16xi32>
      %ne3A_315 = arith.cmpi ne, %get3A_312, %ne3A_314 : vector<16xi32>
      %jit3A_316 = arith.constant 8.000000e+00 : f32
      %jit3A_317 = arith.constant 0.000000e+00 : f32
      %broadcast_in_dim3A_318 = vector.broadcast %jit3A_316 : f32 to vector<16xf32>
      %broadcast_in_dim3A_319 = vector.broadcast %jit3A_317 : f32 to vector<16xf32>
      %select_n3A_320 = arith.select %ne3A_315, %broadcast_in_dim3A_318, %broadcast_in_dim3A_319 : vector<16xi1>, vector<16xf32>
      %parallel_loop3A_321 = arith.constant 0 : i32
      %parallel_loop3A_322 = arith.constant 64 : i32
      %parallel_loop3A_323 = arith.constant 1 : i32
      scf.for %parallel_loop3A_342 = %parallel_loop3A_321 to %parallel_loop3A_322 step %parallel_loop3A_323  : i32 {
        %parallel_loop3A_343 = arith.constant 64 : i32
        %parallel_loop3A_344 = arith.muli %add3A_209, %parallel_loop3A_343 : i32
        %parallel_loop3A_345 = arith.addi %parallel_loop3A_344, %parallel_loop3A_342 : i32
        %parallel_loop3A_346 = vector.broadcast %parallel_loop3A_345 : i32 to vector<16xi32>
        %parallel_loop3A_347 = tpu.vector_load_idx %arg9[%parallel_loop3A_346] : memref<12800xf32, #tpu.memory_space<vmem>>[vector<16xi32>], vector<16xf32>,
        %parallel_loop3A_348 = arith.constant 0 : i32
        %parallel_loop3A_349 = vector.broadcast %parallel_loop3A_348 : i32 to vector<16xi32>
        %parallel_loop3A_350 = arith.addi %iota3A, %parallel_loop3A_349 : vector<16xi32>
        %parallel_loop3A_351 = vector.broadcast %parallel_loop3A_342 : i32 to vector<16xi32>
        %parallel_loop3A_352 = arith.constant 1 : i32
        %parallel_loop3A_353 = arith.constant 0 : i32
        %parallel_loop3A_354 = arith.constant 0 : i32
        %parallel_loop3A_355 = tpu.memref_slice %arg7[%parallel_loop3A_352, %parallel_loop3A_353, %parallel_loop3A_354] : memref<2x128x128xf32, #tpu.memory_space<vmem>> -> memref<1x128x128xf32, #tpu.memory_space<vmem>>
        %parallel_loop3A_356 = tpu.memref_squeeze %parallel_loop3A_355 : memref<1x128x128xf32, #tpu.memory_space<vmem>> -> memref<128x128xf32, #tpu.memory_space<vmem>>
        %parallel_loop3A_357 = tpu.vector_load_idx %parallel_loop3A_356[%parallel_loop3A_350, %parallel_loop3A_351] : memref<128x128xf32, #tpu.memory_space<vmem>>[vector<16xi32>, vector<16xi32>], vector<16xf32>,
        %parallel_loop3A_358 = arith.mulf %parallel_loop3A_357, %select_n3A_243 : vector<16xf32>
        %parallel_loop3A_359 = arith.addf %parallel_loop3A_358, %parallel_loop3A_347 : vector<16xf32>
        %parallel_loop3A_360 = arith.constant 1 : i32
        %parallel_loop3A_361 = arith.index_cast %parallel_loop3A_360 : i32 to index
        %parallel_loop3A_362 = arith.index_cast %parallel_loop3A_342 : i32 to index
        %parallel_loop3A_363 = arith.constant 0 : index
        %parallel_loop3A_364 = tpu.vector_load %arg8[%parallel_loop3A_361, %parallel_loop3A_362, %parallel_loop3A_363] {strides = array<i32>} : memref<2x64x128xf32, #tpu.memory_space<vmem>>, vector<16xf32>,
        tpu.vector_store %arg8[%parallel_loop3A_361, %parallel_loop3A_362, %parallel_loop3A_363], %parallel_loop3A_359 {strides = array<i32>} : memref<2x64x128xf32, #tpu.memory_space<vmem>>, vector<16xf32>,
        %parallel_loop3A_365 = arith.constant 16 : i32
        %parallel_loop3A_366 = vector.broadcast %parallel_loop3A_365 : i32 to vector<16xi32>
        %parallel_loop3A_367 = arith.addi %iota3A, %parallel_loop3A_366 : vector<16xi32>
        %parallel_loop3A_368 = vector.broadcast %parallel_loop3A_342 : i32 to vector<16xi32>
        %parallel_loop3A_369 = arith.constant 1 : i32
        %parallel_loop3A_370 = arith.constant 0 : i32
        %parallel_loop3A_371 = arith.constant 0 : i32
        %parallel_loop3A_372 = tpu.memref_slice %arg7[%parallel_loop3A_369, %parallel_loop3A_370, %parallel_loop3A_371] : memref<2x128x128xf32, #tpu.memory_space<vmem>> -> memref<1x128x128xf32, #tpu.memory_space<vmem>>
        %parallel_loop3A_373 = tpu.memref_squeeze %parallel_loop3A_372 : memref<1x128x128xf32, #tpu.memory_space<vmem>> -> memref<128x128xf32, #tpu.memory_space<vmem>>
        %parallel_loop3A_374 = tpu.vector_load_idx %parallel_loop3A_373[%parallel_loop3A_367, %parallel_loop3A_368] : memref<128x128xf32, #tpu.memory_space<vmem>>[vector<16xi32>, vector<16xi32>], vector<16xf32>,
        %parallel_loop3A_375 = arith.mulf %parallel_loop3A_374, %select_n3A_254 : vector<16xf32>
        %parallel_loop3A_376 = arith.addf %parallel_loop3A_375, %parallel_loop3A_347 : vector<16xf32>
        %parallel_loop3A_377 = arith.constant 1 : i32
        %parallel_loop3A_378 = arith.index_cast %parallel_loop3A_377 : i32 to index
        %parallel_loop3A_379 = arith.index_cast %parallel_loop3A_342 : i32 to index
        %parallel_loop3A_380 = arith.constant 16 : index
        %parallel_loop3A_381 = tpu.vector_load %arg8[%parallel_loop3A_378, %parallel_loop3A_379, %parallel_loop3A_380] {strides = array<i32>} : memref<2x64x128xf32, #tpu.memory_space<vmem>>, vector<16xf32>,
        tpu.vector_store %arg8[%parallel_loop3A_378, %parallel_loop3A_379, %parallel_loop3A_380], %parallel_loop3A_376 {strides = array<i32>} : memref<2x64x128xf32, #tpu.memory_space<vmem>>, vector<16xf32>,
        %parallel_loop3A_382 = arith.constant 32 : i32
        %parallel_loop3A_383 = vector.broadcast %parallel_loop3A_382 : i32 to vector<16xi32>
        %parallel_loop3A_384 = arith.addi %iota3A, %parallel_loop3A_383 : vector<16xi32>
        %parallel_loop3A_385 = vector.broadcast %parallel_loop3A_342 : i32 to vector<16xi32>
        %parallel_loop3A_386 = arith.constant 1 : i32
        %parallel_loop3A_387 = arith.constant 0 : i32
        %parallel_loop3A_388 = arith.constant 0 : i32
        %parallel_loop3A_389 = tpu.memref_slice %arg7[%parallel_loop3A_386, %parallel_loop3A_387, %parallel_loop3A_388] : memref<2x128x128xf32, #tpu.memory_space<vmem>> -> memref<1x128x128xf32, #tpu.memory_space<vmem>>
        %parallel_loop3A_390 = tpu.memref_squeeze %parallel_loop3A_389 : memref<1x128x128xf32, #tpu.memory_space<vmem>> -> memref<128x128xf32, #tpu.memory_space<vmem>>
        %parallel_loop3A_391 = tpu.vector_load_idx %parallel_loop3A_390[%parallel_loop3A_384, %parallel_loop3A_385] : memref<128x128xf32, #tpu.memory_space<vmem>>[vector<16xi32>, vector<16xi32>], vector<16xf32>,
        %parallel_loop3A_392 = arith.mulf %parallel_loop3A_391, %select_n3A_265 : vector<16xf32>
        %parallel_loop3A_393 = arith.addf %parallel_loop3A_392, %parallel_loop3A_347 : vector<16xf32>
        %parallel_loop3A_394 = arith.constant 1 : i32
        %parallel_loop3A_395 = arith.index_cast %parallel_loop3A_394 : i32 to index
        %parallel_loop3A_396 = arith.index_cast %parallel_loop3A_342 : i32 to index
        %parallel_loop3A_397 = arith.constant 32 : index
        %parallel_loop3A_398 = tpu.vector_load %arg8[%parallel_loop3A_395, %parallel_loop3A_396, %parallel_loop3A_397] {strides = array<i32>} : memref<2x64x128xf32, #tpu.memory_space<vmem>>, vector<16xf32>,
        tpu.vector_store %arg8[%parallel_loop3A_395, %parallel_loop3A_396, %parallel_loop3A_397], %parallel_loop3A_393 {strides = array<i32>} : memref<2x64x128xf32, #tpu.memory_space<vmem>>, vector<16xf32>,
        %parallel_loop3A_399 = arith.constant 48 : i32
        %parallel_loop3A_400 = vector.broadcast %parallel_loop3A_399 : i32 to vector<16xi32>
        %parallel_loop3A_401 = arith.addi %iota3A, %parallel_loop3A_400 : vector<16xi32>
        %parallel_loop3A_402 = vector.broadcast %parallel_loop3A_342 : i32 to vector<16xi32>
        %parallel_loop3A_403 = arith.constant 1 : i32
        %parallel_loop3A_404 = arith.constant 0 : i32
        %parallel_loop3A_405 = arith.constant 0 : i32
        %parallel_loop3A_406 = tpu.memref_slice %arg7[%parallel_loop3A_403, %parallel_loop3A_404, %parallel_loop3A_405] : memref<2x128x128xf32, #tpu.memory_space<vmem>> -> memref<1x128x128xf32, #tpu.memory_space<vmem>>
        %parallel_loop3A_407 = tpu.memref_squeeze %parallel_loop3A_406 : memref<1x128x128xf32, #tpu.memory_space<vmem>> -> memref<128x128xf32, #tpu.memory_space<vmem>>
        %parallel_loop3A_408 = tpu.vector_load_idx %parallel_loop3A_407[%parallel_loop3A_401, %parallel_loop3A_402] : memref<128x128xf32, #tpu.memory_space<vmem>>[vector<16xi32>, vector<16xi32>], vector<16xf32>,
        %parallel_loop3A_409 = arith.mulf %parallel_loop3A_408, %select_n3A_276 : vector<16xf32>
        %parallel_loop3A_410 = arith.addf %parallel_loop3A_409, %parallel_loop3A_347 : vector<16xf32>
        %parallel_loop3A_411 = arith.constant 1 : i32
        %parallel_loop3A_412 = arith.index_cast %parallel_loop3A_411 : i32 to index
        %parallel_loop3A_413 = arith.index_cast %parallel_loop3A_342 : i32 to index
        %parallel_loop3A_414 = arith.constant 48 : index
        %parallel_loop3A_415 = tpu.vector_load %arg8[%parallel_loop3A_412, %parallel_loop3A_413, %parallel_loop3A_414] {strides = array<i32>} : memref<2x64x128xf32, #tpu.memory_space<vmem>>, vector<16xf32>,
        tpu.vector_store %arg8[%parallel_loop3A_412, %parallel_loop3A_413, %parallel_loop3A_414], %parallel_loop3A_410 {strides = array<i32>} : memref<2x64x128xf32, #tpu.memory_space<vmem>>, vector<16xf32>,
        %parallel_loop3A_416 = arith.constant 64 : i32
        %parallel_loop3A_417 = vector.broadcast %parallel_loop3A_416 : i32 to vector<16xi32>
        %parallel_loop3A_418 = arith.addi %iota3A, %parallel_loop3A_417 : vector<16xi32>
        %parallel_loop3A_419 = vector.broadcast %parallel_loop3A_342 : i32 to vector<16xi32>
        %parallel_loop3A_420 = arith.constant 1 : i32
        %parallel_loop3A_421 = arith.constant 0 : i32
        %parallel_loop3A_422 = arith.constant 0 : i32
        %parallel_loop3A_423 = tpu.memref_slice %arg7[%parallel_loop3A_420, %parallel_loop3A_421, %parallel_loop3A_422] : memref<2x128x128xf32, #tpu.memory_space<vmem>> -> memref<1x128x128xf32, #tpu.memory_space<vmem>>
        %parallel_loop3A_424 = tpu.memref_squeeze %parallel_loop3A_423 : memref<1x128x128xf32, #tpu.memory_space<vmem>> -> memref<128x128xf32, #tpu.memory_space<vmem>>
        %parallel_loop3A_425 = tpu.vector_load_idx %parallel_loop3A_424[%parallel_loop3A_418, %parallel_loop3A_419] : memref<128x128xf32, #tpu.memory_space<vmem>>[vector<16xi32>, vector<16xi32>], vector<16xf32>,
        %parallel_loop3A_426 = arith.mulf %parallel_loop3A_425, %select_n3A_287 : vector<16xf32>
        %parallel_loop3A_427 = arith.addf %parallel_loop3A_426, %parallel_loop3A_347 : vector<16xf32>
        %parallel_loop3A_428 = arith.constant 1 : i32
        %parallel_loop3A_429 = arith.index_cast %parallel_loop3A_428 : i32 to index
        %parallel_loop3A_430 = arith.index_cast %parallel_loop3A_342 : i32 to index
        %parallel_loop3A_431 = arith.constant 64 : index
        %parallel_loop3A_432 = tpu.vector_load %arg8[%parallel_loop3A_429, %parallel_loop3A_430, %parallel_loop3A_431] {strides = array<i32>} : memref<2x64x128xf32, #tpu.memory_space<vmem>>, vector<16xf32>,
        tpu.vector_store %arg8[%parallel_loop3A_429, %parallel_loop3A_430, %parallel_loop3A_431], %parallel_loop3A_427 {strides = array<i32>} : memref<2x64x128xf32, #tpu.memory_space<vmem>>, vector<16xf32>,
        %parallel_loop3A_433 = arith.constant 80 : i32
        %parallel_loop3A_434 = vector.broadcast %parallel_loop3A_433 : i32 to vector<16xi32>
        %parallel_loop3A_435 = arith.addi %iota3A, %parallel_loop3A_434 : vector<16xi32>
        %parallel_loop3A_436 = vector.broadcast %parallel_loop3A_342 : i32 to vector<16xi32>
        %parallel_loop3A_437 = arith.constant 1 : i32
        %parallel_loop3A_438 = arith.constant 0 : i32
        %parallel_loop3A_439 = arith.constant 0 : i32
        %parallel_loop3A_440 = tpu.memref_slice %arg7[%parallel_loop3A_437, %parallel_loop3A_438, %parallel_loop3A_439] : memref<2x128x128xf32, #tpu.memory_space<vmem>> -> memref<1x128x128xf32, #tpu.memory_space<vmem>>
        %parallel_loop3A_441 = tpu.memref_squeeze %parallel_loop3A_440 : memref<1x128x128xf32, #tpu.memory_space<vmem>> -> memref<128x128xf32, #tpu.memory_space<vmem>>
        %parallel_loop3A_442 = tpu.vector_load_idx %parallel_loop3A_441[%parallel_loop3A_435, %parallel_loop3A_436] : memref<128x128xf32, #tpu.memory_space<vmem>>[vector<16xi32>, vector<16xi32>], vector<16xf32>,
        %parallel_loop3A_443 = arith.mulf %parallel_loop3A_442, %select_n3A_298 : vector<16xf32>
        %parallel_loop3A_444 = arith.addf %parallel_loop3A_443, %parallel_loop3A_347 : vector<16xf32>
        %parallel_loop3A_445 = arith.constant 1 : i32
        %parallel_loop3A_446 = arith.index_cast %parallel_loop3A_445 : i32 to index
        %parallel_loop3A_447 = arith.index_cast %parallel_loop3A_342 : i32 to index
        %parallel_loop3A_448 = arith.constant 80 : index
        %parallel_loop3A_449 = tpu.vector_load %arg8[%parallel_loop3A_446, %parallel_loop3A_447, %parallel_loop3A_448] {strides = array<i32>} : memref<2x64x128xf32, #tpu.memory_space<vmem>>, vector<16xf32>,
        tpu.vector_store %arg8[%parallel_loop3A_446, %parallel_loop3A_447, %parallel_loop3A_448], %parallel_loop3A_444 {strides = array<i32>} : memref<2x64x128xf32, #tpu.memory_space<vmem>>, vector<16xf32>,
        %parallel_loop3A_450 = arith.constant 96 : i32
        %parallel_loop3A_451 = vector.broadcast %parallel_loop3A_450 : i32 to vector<16xi32>
        %parallel_loop3A_452 = arith.addi %iota3A, %parallel_loop3A_451 : vector<16xi32>
        %parallel_loop3A_453 = vector.broadcast %parallel_loop3A_342 : i32 to vector<16xi32>
        %parallel_loop3A_454 = arith.constant 1 : i32
        %parallel_loop3A_455 = arith.constant 0 : i32
        %parallel_loop3A_456 = arith.constant 0 : i32
        %parallel_loop3A_457 = tpu.memref_slice %arg7[%parallel_loop3A_454, %parallel_loop3A_455, %parallel_loop3A_456] : memref<2x128x128xf32, #tpu.memory_space<vmem>> -> memref<1x128x128xf32, #tpu.memory_space<vmem>>
        %parallel_loop3A_458 = tpu.memref_squeeze %parallel_loop3A_457 : memref<1x128x128xf32, #tpu.memory_space<vmem>> -> memref<128x128xf32, #tpu.memory_space<vmem>>
        %parallel_loop3A_459 = tpu.vector_load_idx %parallel_loop3A_458[%parallel_loop3A_452, %parallel_loop3A_453] : memref<128x128xf32, #tpu.memory_space<vmem>>[vector<16xi32>, vector<16xi32>], vector<16xf32>,
        %parallel_loop3A_460 = arith.mulf %parallel_loop3A_459, %select_n3A_309 : vector<16xf32>
        %parallel_loop3A_461 = arith.addf %parallel_loop3A_460, %parallel_loop3A_347 : vector<16xf32>
        %parallel_loop3A_462 = arith.constant 1 : i32
        %parallel_loop3A_463 = arith.index_cast %parallel_loop3A_462 : i32 to index
        %parallel_loop3A_464 = arith.index_cast %parallel_loop3A_342 : i32 to index
        %parallel_loop3A_465 = arith.constant 96 : index
        %parallel_loop3A_466 = tpu.vector_load %arg8[%parallel_loop3A_463, %parallel_loop3A_464, %parallel_loop3A_465] {strides = array<i32>} : memref<2x64x128xf32, #tpu.memory_space<vmem>>, vector<16xf32>,
        tpu.vector_store %arg8[%parallel_loop3A_463, %parallel_loop3A_464, %parallel_loop3A_465], %parallel_loop3A_461 {strides = array<i32>} : memref<2x64x128xf32, #tpu.memory_space<vmem>>, vector<16xf32>,
        %parallel_loop3A_467 = arith.constant 112 : i32
        %parallel_loop3A_468 = vector.broadcast %parallel_loop3A_467 : i32 to vector<16xi32>
        %parallel_loop3A_469 = arith.addi %iota3A, %parallel_loop3A_468 : vector<16xi32>
        %parallel_loop3A_470 = vector.broadcast %parallel_loop3A_342 : i32 to vector<16xi32>
        %parallel_loop3A_471 = arith.constant 1 : i32
        %parallel_loop3A_472 = arith.constant 0 : i32
        %parallel_loop3A_473 = arith.constant 0 : i32
        %parallel_loop3A_474 = tpu.memref_slice %arg7[%parallel_loop3A_471, %parallel_loop3A_472, %parallel_loop3A_473] : memref<2x128x128xf32, #tpu.memory_space<vmem>> -> memref<1x128x128xf32, #tpu.memory_space<vmem>>
        %parallel_loop3A_475 = tpu.memref_squeeze %parallel_loop3A_474 : memref<1x128x128xf32, #tpu.memory_space<vmem>> -> memref<128x128xf32, #tpu.memory_space<vmem>>
        %parallel_loop3A_476 = tpu.vector_load_idx %parallel_loop3A_475[%parallel_loop3A_469, %parallel_loop3A_470] : memref<128x128xf32, #tpu.memory_space<vmem>>[vector<16xi32>, vector<16xi32>], vector<16xf32>,
        %parallel_loop3A_477 = arith.mulf %parallel_loop3A_476, %select_n3A_320 : vector<16xf32>
        %parallel_loop3A_478 = arith.addf %parallel_loop3A_477, %parallel_loop3A_347 : vector<16xf32>
        %parallel_loop3A_479 = arith.constant 1 : i32
        %parallel_loop3A_480 = arith.index_cast %parallel_loop3A_479 : i32 to index
        %parallel_loop3A_481 = arith.index_cast %parallel_loop3A_342 : i32 to index
        %parallel_loop3A_482 = arith.constant 112 : index
        %parallel_loop3A_483 = tpu.vector_load %arg8[%parallel_loop3A_480, %parallel_loop3A_481, %parallel_loop3A_482] {strides = array<i32>} : memref<2x64x128xf32, #tpu.memory_space<vmem>>, vector<16xf32>,
        tpu.vector_store %arg8[%parallel_loop3A_480, %parallel_loop3A_481, %parallel_loop3A_482], %parallel_loop3A_478 {strides = array<i32>} : memref<2x64x128xf32, #tpu.memory_space<vmem>>, vector<16xf32>,
      } {sc.loop_unroll_factor = 4 : i64, sc.parallel_access}
      %dma_start3A_324 = arith.constant 1 : i32
      %dma_start3A_325 = arith.constant 1 : i32
      %dma_start3A_326 = arith.constant 0 : i32
      %dma_start3A_327 = arith.constant 0 : i32
      %dma_start3A_328 = tpu.memref_slice %arg8[%dma_start3A_324, %dma_start3A_326, %dma_start3A_327] : memref<2x64x128xf32, #tpu.memory_space<vmem>> -> memref<1x64x128xf32, #tpu.memory_space<vmem>>
      %dma_start3A_329 = tpu.memref_squeeze %dma_start3A_328 : memref<1x64x128xf32, #tpu.memory_space<vmem>> -> memref<64x128xf32, #tpu.memory_space<vmem>>
      %dma_start3A_330 = arith.constant 0 : i32
      %dma_start3A_331 = tpu.memref_slice %arg5[%add3A_209, %dma_start3A_330, %mul3A_2] : memref<200x64x4096xf32, #tpu.memory_space<hbm>> -> memref<1x64x128xf32, #tpu.memory_space<hbm>>
      %dma_start3A_332 = tpu.memref_squeeze %dma_start3A_331 : memref<1x64x128xf32, #tpu.memory_space<hbm>> -> memref<64x128xf32, #tpu.memory_space<hbm>>
      %dma_start3A_333 = tpu.memref_slice %arg11[%dma_start3A_325] : memref<2x!tpu.dma_semaphore, #tpu.memory_space<semaphore_mem>> -> memref<1x!tpu.dma_semaphore, #tpu.memory_space<semaphore_mem>>
      %dma_start3A_334 = tpu.memref_squeeze %dma_start3A_333 : memref<1x!tpu.dma_semaphore, #tpu.memory_space<semaphore_mem>> -> memref<!tpu.dma_semaphore, #tpu.memory_space<semaphore_mem>>
      %dma_start3A_335 = arith.constant 0 : i32
      %dma_start3A_336 = tpu.memref_slice %arg5[%add3A_209, %dma_start3A_335, %mul3A_2] : memref<200x64x4096xf32, #tpu.memory_space<hbm>> -> memref<1x64x128xf32, #tpu.memory_space<hbm>>
      %dma_start3A_337 = tpu.memref_squeeze %dma_start3A_336 : memref<1x64x128xf32, #tpu.memory_space<hbm>> -> memref<64x128xf32, #tpu.memory_space<hbm>>
      %dma_start3A_338 = arith.constant 0 : i32
      %dma_start3A_339 = arith.constant 0 : i32
      %dma_start3A_340 = tpu.memref_slice %arg8[%dma_start3A_324, %dma_start3A_338, %dma_start3A_339] : memref<2x64x128xf32, #tpu.memory_space<vmem>> -> memref<1x64x128xf32, #tpu.memory_space<vmem>>
      %dma_start3A_341 = tpu.memref_squeeze %dma_start3A_340 : memref<1x64x128xf32, #tpu.memory_space<vmem>> -> memref<64x128xf32, #tpu.memory_space<vmem>>
      tpu.enqueue_dma source(%dma_start3A_341 : memref<64x128xf32, #tpu.memory_space<vmem>>) target(%dma_start3A_337 : memref<64x128xf32, #tpu.memory_space<hbm>>) target_semaphore(%dma_start3A_334 : memref<!tpu.dma_semaphore, #tpu.memory_space<semaphore_mem>>)
    }
    %scan3A_27 = arith.constant 100 : i32
    %dma_wait3A_28 = arith.constant 0 : i32
    %dma_wait3A_29 = arith.constant 198 : i32
    %dma_wait3A_30 = arith.constant 0 : i32
    %dma_wait3A_31 = arith.constant 0 : i32
    %dma_wait3A_32 = arith.constant 0 : i32
    %dma_wait3A_33 = tpu.memref_slice %arg8[%dma_wait3A_28, %dma_wait3A_31, %dma_wait3A_32] : memref<2x64x128xf32, #tpu.memory_space<vmem>> -> memref<1x64x128xf32, #tpu.memory_space<vmem>>
    %dma_wait3A_34 = tpu.memref_squeeze %dma_wait3A_33 : memref<1x64x128xf32, #tpu.memory_space<vmem>> -> memref<64x128xf32, #tpu.memory_space<vmem>>
    %dma_wait3A_35 = arith.constant 0 : i32
    %dma_wait3A_36 = tpu.memref_slice %arg5[%dma_wait3A_29, %dma_wait3A_35, %mul3A_2] : memref<200x64x4096xf32, #tpu.memory_space<hbm>> -> memref<1x64x128xf32, #tpu.memory_space<hbm>>
    %dma_wait3A_37 = tpu.memref_squeeze %dma_wait3A_36 : memref<1x64x128xf32, #tpu.memory_space<hbm>> -> memref<64x128xf32, #tpu.memory_space<hbm>>
    %dma_wait3A_38 = tpu.memref_slice %arg11[%dma_wait3A_30] : memref<2x!tpu.dma_semaphore, #tpu.memory_space<semaphore_mem>> -> memref<1x!tpu.dma_semaphore, #tpu.memory_space<semaphore_mem>>
    %dma_wait3A_39 = tpu.memref_squeeze %dma_wait3A_38 : memref<1x!tpu.dma_semaphore, #tpu.memory_space<semaphore_mem>> -> memref<!tpu.dma_semaphore, #tpu.memory_space<semaphore_mem>>
    %dma_wait3A_40 = arith.constant 0 : i32
    %dma_wait3A_41 = tpu.memref_slice %arg5[%dma_wait3A_29, %dma_wait3A_40, %mul3A_2] : memref<200x64x4096xf32, #tpu.memory_space<hbm>> -> memref<1x64x128xf32, #tpu.memory_space<hbm>>
    %dma_wait3A_42 = tpu.memref_squeeze %dma_wait3A_41 : memref<1x64x128xf32, #tpu.memory_space<hbm>> -> memref<64x128xf32, #tpu.memory_space<hbm>>
    %dma_wait3A_43 = arith.constant 0 : i32
    %dma_wait3A_44 = arith.constant 0 : i32
    %dma_wait3A_45 = tpu.memref_slice %arg8[%dma_wait3A_28, %dma_wait3A_43, %dma_wait3A_44] : memref<2x64x128xf32, #tpu.memory_space<vmem>> -> memref<1x64x128xf32, #tpu.memory_space<vmem>>
    %dma_wait3A_46 = tpu.memref_squeeze %dma_wait3A_45 : memref<1x64x128xf32, #tpu.memory_space<vmem>> -> memref<64x128xf32, #tpu.memory_space<vmem>>
    tpu.wait_dma2 semaphore(%dma_wait3A_39 : memref<!tpu.dma_semaphore, #tpu.memory_space<semaphore_mem>>) src(%dma_wait3A_46 : memref<64x128xf32, #tpu.memory_space<vmem>>) dst(%dma_wait3A_42 : memref<64x128xf32, #tpu.memory_space<hbm>>)
    %dma_wait3A_47 = arith.constant 1 : i32
    %dma_wait3A_48 = arith.constant 199 : i32
    %dma_wait3A_49 = arith.constant 1 : i32
    %dma_wait3A_50 = arith.constant 0 : i32
    %dma_wait3A_51 = arith.constant 0 : i32
    %dma_wait3A_52 = tpu.memref_slice %arg8[%dma_wait3A_47, %dma_wait3A_50, %dma_wait3A_51] : memref<2x64x128xf32, #tpu.memory_space<vmem>> -> memref<1x64x128xf32, #tpu.memory_space<vmem>>
    %dma_wait3A_53 = tpu.memref_squeeze %dma_wait3A_52 : memref<1x64x128xf32, #tpu.memory_space<vmem>> -> memref<64x128xf32, #tpu.memory_space<vmem>>
    %dma_wait3A_54 = arith.constant 0 : i32
    %dma_wait3A_55 = tpu.memref_slice %arg5[%dma_wait3A_48, %dma_wait3A_54, %mul3A_2] : memref<200x64x4096xf32, #tpu.memory_space<hbm>> -> memref<1x64x128xf32, #tpu.memory_space<hbm>>
    %dma_wait3A_56 = tpu.memref_squeeze %dma_wait3A_55 : memref<1x64x128xf32, #tpu.memory_space<hbm>> -> memref<64x128xf32, #tpu.memory_space<hbm>>
    %dma_wait3A_57 = tpu.memref_slice %arg11[%dma_wait3A_49] : memref<2x!tpu.dma_semaphore, #tpu.memory_space<semaphore_mem>> -> memref<1x!tpu.dma_semaphore, #tpu.memory_space<semaphore_mem>>
    %dma_wait3A_58 = tpu.memref_squeeze %dma_wait3A_57 : memref<1x!tpu.dma_semaphore, #tpu.memory_space<semaphore_mem>> -> memref<!tpu.dma_semaphore, #tpu.memory_space<semaphore_mem>>
    %dma_wait3A_59 = arith.constant 0 : i32
    %dma_wait3A_60 = tpu.memref_slice %arg5[%dma_wait3A_48, %dma_wait3A_59, %mul3A_2] : memref<200x64x4096xf32, #tpu.memory_space<hbm>> -> memref<1x64x128xf32, #tpu.memory_space<hbm>>
    %dma_wait3A_61 = tpu.memref_squeeze %dma_wait3A_60 : memref<1x64x128xf32, #tpu.memory_space<hbm>> -> memref<64x128xf32, #tpu.memory_space<hbm>>
    %dma_wait3A_62 = arith.constant 0 : i32
    %dma_wait3A_63 = arith.constant 0 : i32
    %dma_wait3A_64 = tpu.memref_slice %arg8[%dma_wait3A_47, %dma_wait3A_62, %dma_wait3A_63] : memref<2x64x128xf32, #tpu.memory_space<vmem>> -> memref<1x64x128xf32, #tpu.memory_space<vmem>>
    %dma_wait3A_65 = tpu.memref_squeeze %dma_wait3A_64 : memref<1x64x128xf32, #tpu.memory_space<vmem>> -> memref<64x128xf32, #tpu.memory_space<vmem>>
    tpu.wait_dma2 semaphore(%dma_wait3A_58 : memref<!tpu.dma_semaphore, #tpu.memory_space<semaphore_mem>>) src(%dma_wait3A_65 : memref<64x128xf32, #tpu.memory_space<vmem>>) dst(%dma_wait3A_61 : memref<64x128xf32, #tpu.memory_space<hbm>>)
    return
  }
}

</mosaic_0001>

<sc_bundles>
// kernel: kernel.3.cloned.1.call-start
scs
__scs_entry_jumppad:
0x0: {  	(pc) =	sbr.rel $0x88, $3  }
0x1: {  	(tag) =	ssettag $0x0;
	lr =	simm.s32 $0x1  }
0x2: {  	[smem:$0x3F9E] =	sst lr;
	_ =	strace $0xD0000000  }
0x3: {  	_ = 	snop  }
0x4: {  	_ = 	snop  }
0x5: {  	_ = 	snop  }
0x6: {  	_ = 	snop  }
0x7: {  	_ = 	snop  }
__scs_overlays_trampoline_lowered:
0x8: {  	[smem:$0x3FAD] =	sst s0  }
0x9: {  	[smem:$0x3FAE] =	sst s1  }
0xa: {  	[smem:$0x3FAF] =	sst s2  }
0xb: {  	[smem:$0x3FB0] =	sst s3  }
0xc: {  	[smem:$0x3FB1] =	sst s4  }
0xd: {  	[smem:$0x3FB2] =	sst s5  }
0xe: {  	[smem:$0x3FB3] =	sst s6  }
0xf: {  	[smem:$0x3FB4] =	sst s7  }
0x10: {  	[smem:$0x3FB5] =	sst s8  }
0x11: {  	[smem:$0x3FB6] =	sst s9;
	s0 =	simm.s32 @!p0 $0x0  }
0x12: {  	s1 =	sld [smem:$0x3F9C];
	s0 =	simm.s32 @p0 $0x1  }
0x13: {  	[smem:$0x3FB7] =	sst s0;
	s0 =	simm.s32 @!p1 $0x0  }
0x14: {  	s2 =	sld [smem:$0x3F9B];
	s0 =	simm.s32 @p1 $0x1  }
0x15: {  	[smem:$0x3FB8] =	sst s0;
	s0 =	simm.s32 @!p2 $0x0  }
0x16: {  	s3 =	sld [smem:$0x3FDB];
	s0 =	simm.s32 @p2 $0x1  }
0x17: {  	s4 =	simm.s32 $0x1BF5;
	[smem:$0x3FBA] =	sst s0  }
0x18: {  	s0 =	sld [smem:$0x3F9D];
	_ =	swait.ge [sflag:s4], $0x0  }
0x19: {  	s7 =	sld [smem:$0x3F9E]  }
0x1a: {  	s8 =	sadd.s32 $0xFFFFE003, lr  }
0x1b: {  	s9 =	sadd.s32 $0xFFFFFEF7, lr;
	s5 =	simm.s32 $0xFFFFFFFF;
	p2 =	slt.u32 s8, $0xFFFFF086  }
0x1c: {  	p1 =	slt.u32 s9, $0xF7A;
	s5 =	simm.s32 @!p2 $0x0  }
0x1d: {  	s5 =	simm.s32 @p1 $0x1;
	p0 =	seq.s32 s7, s2  }
0x1e: {  	s7 =	smul.u32 @!p0 $0xF7A, s2;
	p2 =	seq.s32 @!p0 s5, $0x0  }
0x1f: {  	s9 =	smul.u32 $0xF7A, s1;
	s8 =	simm.s32 @!p0 $0x1BF5;
	p2 =	por !p2, p0  }
0x20: {  	[sflag:s8] =	ssyncset.s32 @!p0 $0xFFFFF086;
	s6 =	sadd.s32 @!p0 s3, s7;
	s7 =	simm.s32 @!p0 $0x108  }
0x21: {  	s3 =	sadd.s32 s3, s9;
	s6 =	sadd.s32 @!p0 $0x88, s6;
	s7 =	simm.s32 @p2 $0x1082  }
0x22: {  	[simem:s7], [sflag:s8] =	dma.local @!p0 [hbm:s6], $0xF7A  }
0x23: {  	s9 =	sor.u32 $0xD0000000, s2;
	s6 =	simm.s32 $0x108;
	_ =	swait.ge @!p0 [sflag:s8], $0x0  }
0x24: {  	s3 =	sadd.s32 $0x88, s3;
	s6 =	simm.s32 @!p1 $0x1082;
	[sflag:s4] =	ssyncset.s32 $0xFFFFF086  }
0x25: {  	[simem:s6], [sflag:s4] =	dma.local [hbm:s3], $0xF7A  }
0x26: {  	[smem:$0x3F9E] =	sst s1;
	(tag) =	ssettag s2;
	_ =	strace s9  }
0x27: {  	s1 =	sld [smem:$0x3FAE]  }
0x28: {  	s2 =	sld [smem:$0x3FAF]  }
0x29: {  	s4 =	sld [smem:$0x3FB1]  }
0x2a: {  	p0 =	seq.s32 s5, $0x0;
	s5 =	sld [smem:$0x3FB2]  }
0x2b: {  	s6 =	sld [smem:$0x3FB3]  }
0x2c: {  	s7 =	sld [smem:$0x3FB4]  }
0x2d: {  	s3 =	simm.s32 $0x108;
	s8 =	sld [smem:$0x3FB5]  }
0x2e: {  	s3 =	simm.s32 @!p0 $0x1082;
	s9 =	sld [smem:$0x3FB6]  }
0x2f: {  	lr =	sadd.s32 s0, s3;
	s0 =	sld [smem:$0x3FAD]  }
0x30: {  	s3 =	sld [smem:$0x3FB0]  }
0x31: {  	[smem:$0x3FB9] =	sst s10  }
0x32: {  	s10 =	sld [smem:$0x3FB7];
	_ =	sdelay $0x3  }
0x33: {  	p0 =	seq.s32 s10, $0x1;
	s10 =	sld [smem:$0x3FB9];
	_ =	sdelay $0x3  }
0x34: {  	[smem:$0x3FB9] =	sst s10  }
0x35: {  	s10 =	sld [smem:$0x3FB8];
	_ =	sdelay $0x3  }
0x36: {  	p1 =	seq.s32 s10, $0x1;
	s10 =	sld [smem:$0x3FB9];
	_ =	sdelay $0x3  }
0x37: {  	[smem:$0x3FB9] =	sst s10  }
0x38: {  	s10 =	sld [smem:$0x3FBA]  }
0x39: {  	_ = 	snop;
	(pc) =	sbr.ind lr, $3  }
0x3a: {  	_ = 	snop  }
0x3b: {  	_ = 	snop  }
0x3c: {  	p2 =	seq.s32 s10, $0x1;
	s10 =	sld [smem:$0x3FB9]  }
0x3d: {  	_ =	shalt  }
0x3e: {  	_ =	shalt  }
0x3f: {  	_ =	shalt  }
0x40: {  	_ =	shalt  }
0x41: {  	_ =	shalt  }
0x42: {  	_ =	shalt  }
0x43: {  	_ =	shalt  }
0x44: {  	_ =	shalt  }
0x45: {  	_ =	shalt  }
0x46: {  	_ =	shalt  }
0x47: {  	_ =	shalt  }
0x48: {  	_ =	shalt  }
0x49: {  	_ =	shalt  }
0x4a: {  	_ =	shalt  }
0x4b: {  	_ =	shalt  }
0x4c: {  	_ =	shalt  }
0x4d: {  	_ =	shalt  }
0x4e: {  	_ =	shalt  }
0x4f: {  	_ =	shalt  }
0x50: {  	_ =	shalt  }
0x51: {  	_ =	shalt  }
0x52: {  	_ =	shalt  }
0x53: {  	_ =	shalt  }
0x54: {  	_ =	shalt  }
0x55: {  	_ =	shalt  }
0x56: {  	_ =	shalt  }
0x57: {  	_ =	shalt  }
0x58: {  	_ =	shalt  }
0x59: {  	_ =	shalt  }
0x5a: {  	_ =	shalt  }
0x5b: {  	_ =	shalt  }
0x5c: {  	_ =	shalt  }
0x5d: {  	_ =	shalt  }
0x5e: {  	_ =	shalt  }
0x5f: {  	_ =	shalt  }
0x60: {  	_ =	shalt  }
0x61: {  	_ =	shalt  }
0x62: {  	_ =	shalt  }
0x63: {  	_ =	shalt  }
0x64: {  	_ =	shalt  }
0x65: {  	_ =	shalt  }
0x66: {  	_ =	shalt  }
0x67: {  	_ =	shalt  }
0x68: {  	_ =	shalt  }
0x69: {  	_ =	shalt  }
0x6a: {  	_ =	shalt  }
0x6b: {  	_ =	shalt  }
0x6c: {  	_ =	shalt  }
0x6d: {  	_ =	shalt  }
0x6e: {  	_ =	shalt  }
0x6f: {  	_ =	shalt  }
0x70: {  	_ =	shalt  }
0x71: {  	_ =	shalt  }
0x72: {  	_ =	shalt  }
0x73: {  	_ =	shalt  }
0x74: {  	_ =	shalt  }
0x75: {  	_ =	shalt  }
0x76: {  	_ =	shalt  }
0x77: {  	_ =	shalt  }
0x78: {  	_ =	shalt  }
0x79: {  	_ =	shalt  }
0x7a: {  	_ =	shalt  }
0x7b: {  	_ =	shalt  }
0x7c: {  	_ =	shalt  }
0x7d: {  	_ =	shalt  }
0x7e: {  	_ =	shalt  }
0x7f: {  	_ =	shalt  }
0x80: {  	_ =	shalt  }
0x81: {  	_ =	shalt  }
0x82: {  	_ =	shalt  }
0x83: {  	_ =	shalt  }
0x84: {  	_ =	shalt  }
0x85: {  	_ =	shalt  }
0x86: {  	_ =	shalt  }
0x87: {  	_ =	shalt  }
.Lfunc_end0:
.L_simem_size_0:
called_computation_lowered:
.L_overlay_start_0:
0x88: {  	s2 =	sld [smem:$0x3FD9]  }
0x89: {  	s3 =	sld [smem:$0x3FFE];
	_ =	sdelay $0x1  }
0x8a: {  	s1 =	srdreg.scid  }
0x8b: {  	s0 =	sand.u32 $0x1, s1  }
0x8c: {  	s17 =	sshll.u32 s0, $0xA;
	s2 =	sadd.s32 s3, s2  }
0x8d: {  	s2 =	sadd.s32 s2, s17  }
0x8e: {  	[smem:$0x3FC5] =	sst s2  }
0x8f: {  	_ = 	snop  }
0x90: {  	s2 =	sld [smem:$0x3FC9]  }
0x91: {  	s18 =	sld [smem:$0x3FD0];
	(tm) =	ssettm $0x1  }
0x92: {  	s4 =	sld [smem:$0x3FFB];
	_ =	sdelay $0x3  }
0x93: {  	_ =	strace s4  }
0x94: {  	s4 =	sld [smem:$0x3FFC];
	_ =	sdelay $0x3  }
0x95: {  	_ =	strace s4  }
0x96: {  	s4 =	sld [smem:$0x3FFD];
	_ =	sdelay $0x3  }
0x97: {  	_ =	strace s4  }
0x98: {  	_ =	strace $0x8FFFFFFF  }
0x99: {  	s19 =	sld [smem:$0x3FDB];
	_ =	sdelay $0x1  }
0x9a: {  	s5 =	simm.s32 $_scs_section_size  }
0x9b: {  	s6 =	simm.s32 $_size__tile_overlayer_lowered;
	s7 =	simm.s32 $_tile_overlayer_lowered  }
0x9c: {  	s22 =	simm.s32 $0x1BFF;
	s21 =	sshll.u32 s7, $0x1;
	s4 =	sadd.s32 s5, s19  }
0x9d: {  	s8 =	simm.s32 $0x0;
	s20 =	sshll.u32 s6, $0x1;
	s6 =	sadd.s32 s21, s4  }
0x9e: {  	[timem:s8], [sflag:s22] =	dma.local [hbm:s6], s20  }
0x9f: {  	_ =	swait.ge [sflag:s22], s20  }
0xa0: {  	s5 =	ssub.s32 $0x0, s20;
	[sflag:s22] =	ssyncset.done $0x0  }
0xa1: {  	[sflag:s22] =	ssyncadd.s32 s5;
	_ =	sdelay $0x1  }
0xa2: {  	s23 =	simm.s32 $0x1B8B  }
0xa3: {  	_ =	swait.ge [sflag:s23], $0x1  }
0xa4: {  	[sflag:s23] =	ssyncset.done $0x0  }
0xa5: {  	s25 =	simm.s32 $0x1B8E;
	s24 =	sld [smem:$0x3FFE];
	[sflag:s23] =	ssyncadd.s32 $0xFFFFFFFF  }
0xa6: {  	s26 =	simm.s32 $execute0_lowered;
	[smem:$0x3FD2] =	sst s25  }
0xa7: {  	s6 =	sshll.u32 s26, $0x1;
	_ =	strace $0x80000046;
	[dreg:$0x1] =	wrdreg $0xFFFFFFFF  }
0xa8: {  	s28 =	simm.s32 $_size_execute0_lowered;
	s4 =	sadd.s32 s4, s6;
	[dreg:$0x0] =	wrdreg $0x0  }
0xa9: {  	s6 =	sshll.u32 s28, $0x1;
	[dreg:$0x2] =	wrdreg s4  }
0xaa: {  	[dreg:$0x3] =	wrdreg s6  }
0xab: {  	[dreg:$0x4] =	wrdreg $0xC0  }
0xac: {  	_ =	task [dreg:s8], $0x5FFFF  }
0xad: {  	[dreg:$0x1] =	wrdreg $0xFFFFFFFF  }
0xae: {  	[dreg:$0x0] =	wrdreg $0x60  }
0xaf: {  	[dreg:$0x2] =	wrdreg s2  }
0xb0: {  	[dreg:$0x3] =	wrdreg s24  }
0xb1: {  	[dreg:$0x4] =	wrdreg s18  }
0xb2: {  	[dreg:$0x5] =	wrdreg $0x9  }
0xb3: {  	_ =	task.clear_ibuf [dreg:s8], $0x6FFFF;
	_ =	strace $0x90000046  }
0xb4: {  	s29 =	simm.s32 $0x9;
	_ =	strace $0x80000048  }
0xb5: {  	_ =	swait.ge [sflag:s29], $0x1  }
0xb6: {  	[sflag:s29] =	ssyncadd.s32 $0xFFFFFFFF  }
0xb7: {  	_ =	strace $0x90000048  }
0xb8: {  	_ =	sfence  }
0xb9: {  	s30 =	sld [smem:$0x0];
	_ =	sdelay $0x2  }
0xba: {  	s31 =	sshll.u32 s1, $0xD;
	s1 =	sshrl.u32 s1, $0x2  }
0xbb: {  	s3 =	sand.u32 $0x4000, s31;
	s1 =	sadd.s32 s1, s30  }
0xbc: {  	s0 =	sor.u32 s3, s0;
	s1 =	sshll.u32 s1, $0x11  }
0xbd: {  	s0 =	sor.u32 s1, s0  }
0xbe: {  	s0 =	sadd.s32 $0x8F2B, s0  }
0xbf: {  	[sflag:s0] =	ssyncadd.remote.s32 $0x1  }
0xc0: {  	_ =	sfence.sel $0xFFFF  }
0xc1: {  	[dreg:$0x0] =	wrdreg $0xFFFFFFFF;
	(pc) =	sbr.abs _section_cstart, $3  }
0xc2: {  	[dreg:$0x1] =	wrdreg $0xFFFFFFFF  }
0xc3: {  	_ =	task.clear_ibuf [dreg:s8], $0x2FFFF;
	_ =	strace $0x9FFFFFFF  }
0xc4: {  	(tm) =	ssettm $0x7FFFFFFF  }
0xc5: {  	_ =	shalt  }
tec
execute0_lowered:
.L_overlay_start_1:
0x0: {  	(tag) =	ssettag $0x1  }
0x1: {  	s0 =	rddreg [dreg:$0x0]  }
0x2: {  	s2 =	rddreg [dreg:$0x1]  }
0x3: {  	s1 =	rddreg [dreg:$0x2];
	s3 =	simm.s32 $0x0  }
0x4: {  	s4 =	srdreg.scid;
	s5 =	stileid.u32;
	s9 =	simm.s32 $0x12400  }
0x5: {  	s11 =	simm.s32 $0x400;
	s12 =	simm.s32 $0x8000;
	s13 =	simm.s32 $0x5  }
0x6: {  	s14 =	simm.s32 $0x80;
	s15 =	simm.s32 $0x6400;
	s16 =	simm.s32 $0x1  }
0x7: {  	s17 =	simm.s32 $0xA400;
	s18 =	simm.s32 $0xE400;
	s19 =	simm.s32 $0x2  }
0x8: {  	s20 =	simm.s32 $0x10400;
	[smem:$0x7FF] =	sst s3;
	s4 =	sand.u32 $0x1, s4  }
0x9: {  	v0 =	vlaneseq.u32;
	s5 =	sshll.u32 s5, $0xB;
	s6 =	ssub.s32 $0x2, s4;
	s4 =	sshll.u32 s4, $0xA  }
0xa: {  	v0 =	vmul.u32 $0x80, v0;
	_ =	strace $0x80000047;
	s7 =	sshrl.u32 s6, $0x1;
	s4 =	sor.u32 s4, s5  }
0xb: {  	s5 =	sadd.s32 $0xC00, s2;
	s2 =	sadd.s32 $0x400, s2;
	s30 =	sshrl.u32 s4, $0x3  }
0xc: {  	v1 =	vimm.f32 $8.000000000e+00;
	v2 =	vor.u32 $0x800, v0;
	s6 =	ssub.s32 s6, s7;
	[dreg:$0x4] =	wrdreg s2;
	s0 =	sadd.s32 s0, s30  }
0xd: {  	s21 =	simm.s32 $0x3;
	v3 =	vor.u32 $0x1000, v0;
	v4 =	vor.u32 $0x1800, v0;
	v5 =	vor.u32 $0x2000, v0;
	s31 =	smax.u32 s6, $0x1;
	[dreg:$0x5] =	wrdreg s0  }
0xe: {  	s22 =	simm.s32 $0x4;
	s23 =	simm.s32 $0x0;
	v6 =	vor.u32 $0x2800, v0;
	v7 =	vor.u32 $0x3000, v0;
	v8 =	vor.u32 $0x3800, v0;
	[dreg:$0x6] =	wrdreg s31  }
.LBB2_1:
0xf: {  	s0 =	rddreg [dreg:$0x4];
	s30 =	simm.s32 $0x6  }
0x10: {  	[tilespmem:s9], [sflag:$0x6] =	stream.linear.gather [hbm4b:s0+s3], $0x3200, $0x38;
	[tilespmem:$0x15600] =	vst v63  }
0x11: {  	_ =	swait.ge [sflag:s30], $0x3200  }
0x12: {  	[sflag:s30] =	ssyncset.done $0x0  }
0x13: {  	s31 =	rddreg [dreg:$0x5];
	[sflag:s30] =	ssyncadd.s32 $0xFFFFCE00  }
0x14: {  	[tilespmem:s3], [sflag:$0x5] =	stream.strided.gather [hbm4b:s31+s11], $0x6400, s12, s11, $0x38;
	[tilespmem:$0x15600] =	vst v63  }
0x15: {  	_ =	swait.ge [sflag:s13], $0x6400  }
0x16: {  	[sflag:s13] =	ssyncset.done $0x0  }
0x17: {  	s24 =	simm.s32 $0x0;
	s25 =	simm.s32 $0x0;
	[sflag:s13] =	ssyncadd.s32 $0xFFFF9C00  }
0x18: {  	[tilespmem:s15], [sflag:$0x1] =	stream.indirect.gather [hbm4b:s5+s14], $0x80, s3, s14, $0xb8;
	[tilespmem:$0x15600] =	vst v63  }
.LBB2_2:
0x19: {  	_ =	swait.ge [sflag:s16], $0x4000  }
0x1a: {  	s26 =	sshllo.u32 s25, $0x1;
	p0 =	seq.s32 s25, $0x0;
	s2 =	simm.s32 $0x3  }
0x1b: {  	s10 =	sshll.u32 s25, $0x8;
	[sflag:s16] =	ssyncset.done $0x0;
	s0 =	sshll.u32 s26, $0x7  }
0x1c: {  	[sflag:s16] =	ssyncadd.s32 $0xFFFFC000;
	s28 =	sand.u32 $0x3FFFFF80, s0;
	s0 =	simm.s32 @!p0 $0x3  }
0x1d: {  	[tilespmem:s17], [sflag:$0x2] =	stream.indirect.gather [hbm4b:s5+s14], $0x80, s28, s14, $0xb8;
	[tilespmem:$0x15600] =	vst v63  }
0x1e: {  	s6 =	simm.s32 $0x1;
	s7 =	simm.s32 $0x2;
	v9 =	vmov s2;
	_ =	swait.ge @!p0 [sflag:s0], $0x2000  }
0x1f: {  	s8 =	sadd.s32 $0x0, s24;
	s2 =	simm.s32 $0x0;
	v9 =	vand.u32 $0x7F, v9;
	[sflag:s0] =	ssyncset.done @!p0 $0x0  }
0x20: {  	s29 =	sand.u32 $0x3FFFFF00, s10;
	v11 =	vmov s6;
	s6 =	sadd.s32 $0x1, s8;
	v10 =	vmov s2;
	v33 =	vbroadcast v9, $0x0;
	[sflag:s0] =	ssyncadd.s32 @!p0 $0xFFFFE000  }
0x21: {  	v14 =	vmov s7;
	v17 =	vmov s6;
	v10 =	vand.u32 $0x7C, v10;
	v9 =	vld [tilespmem:s29+$0x0]  }
0x22: {  	s10 =	sadd.s32 $0x3, s8;
	v30 =	vbroadcast v10, $0x0;
	v10 =	vand.u32 $0x7D, v11;
	v13 =	vor.u32 v0, v33;
	v12 =	vld [tilespmem:s29+$0x10]  }
0x23: {  	v11 =	vand.u32 $0x7E, v14;
	v35 =	vbroadcast v10, $0x0;
	v10 =	vmov s10;
	v15 =	vld [tilespmem:s29+$0x20]  }
0x24: {  	v17 =	vand.u32 $0xFFFFFFFD, v17;
	v25 =	vbroadcast v11, $0x0;
	v11 =	vor.u32 v0, v30;
	v16 =	vld [tilespmem:s29+$0x30]  }
0x25: {  	s7 =	sadd.s32 $0x2, s8;
	v17 =	vbroadcast v17, $0x0;
	v14 =	vld [tilespmem:s29+$0x40];
	v18 =	vor.u32 v0, v35  }
0x26: {  	v19 =	vmov s7;
	v23 =	vld [tilespmem:s29+$0x50]  }
0x27: {  	v19 =	vand.u32 $0xFFFFFFFE, v19;
	v20 =	vor.u32 v0, v25;
	v21 =	vld.idx.msk [tilespmem:v13+s15+$0x0], $0xffff;
	v13 =	vmov s8  }
0x28: {  	v19 =	vbroadcast v19, $0x0;
	v24 =	vand.u32 $0xFFFFFFFC, v13;
	v13 =	vld.idx.msk [tilespmem:v10+s9+$0x0], $0xffff  }
0x29: {  	v26 =	vld.idx.msk [tilespmem:v11+s15+$0x0], $0xffff;
	v10 =	vbroadcast v24, $0x0  }
0x2a: {  	vm0 =	veq.s32 v9, $0x0;
	v18 =	vld.idx.msk [tilespmem:v18+s15+$0x0], $0xffff  }
0x2b: {  	v11 =	vld.idx.msk [tilespmem:v17+s9+$0x0], $0xffff;
	v29 =	vsel vm0, $0x0, v1  }
0x2c: {  	v24 =	vld.idx.msk [tilespmem:v20+s15+$0x0], $0xffff;
	v20 =	vmul.f32 v21, v29;
	v21 =	vor.u32 v2, v33  }
0x2d: {  	v22 =	vld [tilespmem:s29+$0x60]  }
0x2e: {  	v9 =	vld.idx.msk [tilespmem:v19+s9+$0x0], $0xffff;
	v17 =	vadd.f32 v20, v13  }
0x2f: {  	s30 =	simm.s32 $0xE500;
	v19 =	vor.u32 v2, v35;
	v18 =	vmul.f32 v18, v29;
	v10 =	vld.idx.msk [tilespmem:v10+s9+$0x0], $0xffff  }
0x30: {  	v20 =	vld [tilespmem:s29+$0x70];
	[tilespmem:s30+$0x80] =	vst v17  }
0x31: {  	v24 =	vmul.f32 v24, v29;
	v17 =	vor.u32 v2, v25;
	v18 =	vadd.f32 v18, v11;
	v21 =	vld.idx.msk [tilespmem:v21+s15+$0x0], $0xffff  }
0x32: {  	v27 =	vor.u32 v2, v30;
	v26 =	vmul.f32 v26, v29  }
0x33: {  	v24 =	vadd.f32 v24, v9;
	[tilespmem:s30+$0xFFFFFF80] =	vst v18  }
0x34: {  	vm9 =	veq.s32 v12, $0x0;
	v18 =	vld.idx.msk [tilespmem:v19+s15+$0x0], $0xffff;
	v12 =	vadd.f32 v26, v10  }
0x35: {  	v28 =	vsel vm9, $0x0, v1;
	[tilespmem:s30+$0x0] =	vst v24  }
0x36: {  	v17 =	vld.idx.msk [tilespmem:v17+s15+$0x0], $0xffff;
	v19 =	vmul.f32 v21, v28;
	v21 =	vor.u32 v3, v33;
	[tilespmem:s30+$0xFFFFFF00] =	vst v12  }
0x37: {  	v12 =	vld.idx.msk [tilespmem:v27+s15+$0x0], $0xffff  }
0x38: {  	v19 =	vadd.f32 v19, v13  }
0x39: {  	v24 =	vor.u32 v3, v35;
	v18 =	vmul.f32 v18, v28  }
0x3a: {  	[tilespmem:s30+$0x90] =	vst v19  }
0x3b: {  	v17 =	vmul.f32 v17, v28;
	v19 =	vor.u32 v3, v25;
	v18 =	vadd.f32 v18, v11;
	v21 =	vld.idx.msk [tilespmem:v21+s15+$0x0], $0xffff  }
0x3c: {  	v27 =	vor.u32 v3, v30;
	v12 =	vmul.f32 v12, v28  }
0x3d: {  	s6 =	simm.s32 $0x7;
	v17 =	vadd.f32 v17, v9;
	[tilespmem:s30+$0xFFFFFF90] =	vst v18  }
0x3e: {  	v34 =	vmov s6;
	vm10 =	veq.s32 v15, $0x0;
	v15 =	vld.idx.msk [tilespmem:v24+s15+$0x0], $0xffff;
	v12 =	vadd.f32 v12, v10  }
0x3f: {  	v38 =	vor.u32 v5, v33;
	s8 =	simm.s32 $0x4;
	vm11 =	veq.s32 v16, $0x0;
	v26 =	vsel vm10, $0x0, v1;
	[tilespmem:s30+$0x10] =	vst v17  }
0x40: {  	v16 =	vmov s8;
	v17 =	vld.idx.msk [tilespmem:v19+s15+$0x0], $0xffff;
	v19 =	vor.u32 v4, v33;
	v18 =	vmul.f32 v21, v26;
	[tilespmem:s30+$0xFFFFFF10] =	vst v12  }
0x41: {  	s10 =	simm.s32 $0x5;
	v31 =	vor.u32 v4, v30;
	v32 =	vor.u32 v4, v35;
	v12 =	vand.u32 $0x7C, v16;
	v21 =	vld.idx.msk [tilespmem:v27+s15+$0x0], $0xffff  }
0x42: {  	s2 =	simm.s32 $0x6;
	v16 =	vmov s10;
	v12 =	vbroadcast v12, $0x0;
	v18 =	vadd.f32 v18, v13  }
0x43: {  	v24 =	vmov s2;
	v16 =	vand.u32 $0x7D, v16;
	v27 =	vmul.f32 v15, v26  }
0x44: {  	v15 =	vbroadcast v16, $0x0;
	v60 =	vor.u32 v0, v12;
	[tilespmem:s30+$0xA0] =	vst v18;
	v18 =	vand.u32 $0x7E, v24  }
0x45: {  	v17 =	vmul.f32 v17, v26;
	v24 =	vor.u32 v4, v25;
	v27 =	vadd.f32 v27, v11;
	v19 =	vld.idx.msk [tilespmem:v19+s15+$0x0], $0xffff  }
0x46: {  	s7 =	sadd.s32 $0x4, s24;
	v16 =	vbroadcast v18, $0x0;
	v18 =	vmul.f32 v21, v26;
	v21 =	vand.u32 $0x7F, v34  }
0x47: {  	s0 =	sadd.s32 $0x3, s7;
	v36 =	vor.u32 v0, v15;
	v17 =	vadd.f32 v17, v9;
	[tilespmem:s30+$0xFFFFFFA0] =	vst v27;
	v21 =	vbroadcast v21, $0x0  }
0x48: {  	v40 =	vmov s0;
	s8 =	sadd.s32 $0x1, s7;
	v32 =	vld.idx.msk [tilespmem:v32+s15+$0x0], $0xffff;
	v37 =	vor.u32 v0, v16;
	v18 =	vadd.f32 v18, v10  }
0x49: {  	v39 =	vmov s8;
	v27 =	vsel vm11, $0x0, v1;
	[tilespmem:s30+$0x20] =	vst v17;
	v34 =	vld.idx.msk [tilespmem:v60+s15+$0x0], $0xffff;
	v17 =	vor.u32 v0, v21  }
0x4a: {  	v61 =	vor.u32 v5, v35;
	v39 =	vand.u32 $0xFFFFFFFD, v39;
	s10 =	sadd.s32 $0x2, s7;
	v19 =	vmul.f32 v19, v27;
	[tilespmem:s30+$0xFFFFFF20] =	vst v18;
	v18 =	vld.idx.msk [tilespmem:v24+s15+$0x0], $0xffff  }
0x4b: {  	vm12 =	veq.s32 v14, $0x0;
	v39 =	vbroadcast v39, $0x0;
	v41 =	vmov s10;
	v31 =	vld.idx.msk [tilespmem:v31+s15+$0x0], $0xffff  }
0x4c: {  	v41 =	vand.u32 $0xFFFFFFFE, v41;
	v36 =	vld.idx.msk [tilespmem:v36+s15+$0x0], $0xffff;
	v24 =	vmov s7;
	v19 =	vadd.f32 v19, v13  }
0x4d: {  	v41 =	vbroadcast v41, $0x0;
	v24 =	vand.u32 $0xFFFFFFFC, v24;
	v14 =	vmul.f32 v32, v27;
	v37 =	vld.idx.msk [tilespmem:v37+s15+$0x0], $0xffff  }
0x4e: {  	v50 =	vor.u32 v6, v33;
	v62 =	vor.u32 v5, v30;
	v42 =	vbroadcast v24, $0x0;
	[tilespmem:s30+$0xB0] =	vst v19;
	v43 =	vld.idx.msk [tilespmem:v17+s15+$0x0], $0xffff  }
0x4f: {  	v53 =	vor.u32 v6, v30;
	v54 =	vor.u32 v6, v35;
	v44 =	vadd.f32 v14, v11;
	v38 =	vld.idx.msk [tilespmem:v38+s15+$0x0], $0xffff  }
0x50: {  	v17 =	vld.idx.msk [tilespmem:v40+s9+$0x0], $0xffff;
	v18 =	vmul.f32 v18, v27;
	v19 =	vmul.f32 v31, v27;
	v31 =	vor.u32 v5, v25  }
0x51: {  	v56 =	vor.u32 v6, v25;
	v52 =	vor.u32 v2, v12;
	v14 =	vld.idx.msk [tilespmem:v39+s9+$0x0], $0xffff;
	[tilespmem:s30+$0xFFFFFFB0] =	vst v44  }
0x52: {  	v46 =	vor.u32 v2, v15;
	v49 =	vor.u32 v2, v21;
	v45 =	vadd.f32 v18, v9;
	v32 =	vld.idx.msk [tilespmem:v61+s15+$0x0], $0xffff  }
0x53: {  	v24 =	vsel vm12, $0x0, v1;
	v63 =	vadd.f32 v19, v10;
	v19 =	vld.idx.msk [tilespmem:v41+s9+$0x0], $0xffff;
	v48 =	vmul.f32 v43, v29  }
0x54: {  	v51 =	vor.u32 v2, v16;
	v18 =	vld.idx.msk [tilespmem:v42+s9+$0x0], $0xffff;
	[tilespmem:s30+$0x30] =	vst v45;
	v38 =	vmul.f32 v38, v24  }
0x55: {  	v36 =	vmul.f32 v36, v29;
	[tilespmem:s30+$0xFFFFFF30] =	vst v63;
	v41 =	vadd.f32 v48, v17;
	v31 =	vld.idx.msk [tilespmem:v31+s15+$0x0], $0xffff  }
0x56: {  	s0 =	simm.s32 $0xE700;
	v60 =	vor.u32 v7, v33;
	v37 =	vmul.f32 v37, v29;
	v39 =	vld.idx.msk [tilespmem:v62+s15+$0x0], $0xffff;
	v38 =	vadd.f32 v38, v13  }
0x57: {  	v58 =	vor.u32 v3, v21;
	v34 =	vmul.f32 v34, v29;
	v36 =	vadd.f32 v36, v14;
	[tilespmem:s0+$0x80] =	vst v41  }
0x58: {  	vm13 =	veq.s32 v23, $0x0;
	v61 =	vor.u32 v3, v15;
	v37 =	vadd.f32 v37, v19;
	v41 =	vld.idx.msk [tilespmem:v49+s15+$0x0], $0xffff;
	[tilespmem:s30+$0xC0] =	vst v38  }
0x59: {  	vm14 =	veq.s32 v22, $0x0;
	[tilespmem:s0+$0xFFFFFF80] =	vst v36;
	v32 =	vmul.f32 v32, v24;
	v34 =	vadd.f32 v34, v18;
	v38 =	vld.idx.msk [tilespmem:v50+s15+$0x0], $0xffff  }
0x5a: {  	v23 =	vsel vm13, $0x0, v1;
	v42 =	vor.u32 v3, v12;
	v55 =	vld.idx.msk [tilespmem:v46+s15+$0x0], $0xffff;
	[tilespmem:s0+$0x0] =	vst v37;
	v31 =	vmul.f32 v31, v24  }
0x5b: {  	v22 =	vsel vm14, $0x0, v1;
	v32 =	vadd.f32 v32, v11;
	[tilespmem:s0+$0xFFFFFF00] =	vst v34;
	v57 =	vld.idx.msk [tilespmem:v51+s15+$0x0], $0xffff;
	v39 =	vmul.f32 v39, v24  }
0x5c: {  	v63 =	vor.u32 v3, v16;
	v48 =	vor.u32 v4, v15;
	v40 =	vld.idx.msk [tilespmem:v52+s15+$0x0], $0xffff;
	v31 =	vadd.f32 v31, v9  }
0x5d: {  	v50 =	vor.u32 v7, v30;
	[tilespmem:s30+$0xFFFFFFC0] =	vst v32;
	v39 =	vadd.f32 v39, v10;
	v41 =	vmul.f32 v41, v28  }
0x5e: {  	vm15 =	veq.s32 v20, $0x0;
	v51 =	vor.u32 v4, v21;
	v43 =	vld.idx.msk [tilespmem:v54+s15+$0x0], $0xffff;
	v59 =	vmul.f32 v38, v23;
	[tilespmem:s30+$0x40] =	vst v31  }
0x5f: {  	v54 =	vor.u32 v7, v35;
	v31 =	vmul.f32 v55, v28;
	[tilespmem:s30+$0xFFFFFF40] =	vst v39;
	v41 =	vadd.f32 v41, v17  }
0x60: {  	v55 =	vor.u32 v7, v25;
	v37 =	vld.idx.msk [tilespmem:v56+s15+$0x0], $0xffff;
	v34 =	vmul.f32 v57, v28;
	v32 =	vadd.f32 v59, v13  }
0x61: {  	v20 =	vsel vm15, $0x0, v1;
	s2 =	simm.s32 $0x8;
	v36 =	vld.idx.msk [tilespmem:v53+s15+$0x0], $0xffff;
	v40 =	vmul.f32 v40, v28;
	v52 =	vadd.f32 v31, v14;
	[tilespmem:s0+$0x90] =	vst v41  }
0x62: {  	s8 =	simm.s32 $0xA;
	v62 =	vmov s2;
	v31 =	vor.u32 v8, v30;
	v34 =	vadd.f32 v34, v19;
	v44 =	vld.idx.msk [tilespmem:v58+s15+$0x0], $0xffff;
	[tilespmem:s30+$0xD0] =	vst v32  }
0x63: {  	v49 =	vmov s8;
	v53 =	vmul.f32 v43, v23;
	v40 =	vadd.f32 v40, v18;
	[tilespmem:s0+$0xFFFFFF90] =	vst v52;
	v38 =	vld.idx.msk [tilespmem:v60+s15+$0x0], $0xffff  }
0x64: {  	v39 =	vand.u32 $0x7C, v62;
	v41 =	vor.u32 v4, v12;
	v32 =	vor.u32 v5, v12;
	[tilespmem:s0+$0x10] =	vst v34;
	v46 =	vld.idx.msk [tilespmem:v61+s15+$0x0], $0xffff  }
0x65: {  	v30 =	vbroadcast v39, $0x0;
	v58 =	vor.u32 v8, v33;
	[tilespmem:s0+$0xFFFFFF10] =	vst v40;
	v37 =	vmul.f32 v37, v23;
	v56 =	vld.idx.msk [tilespmem:v63+s15+$0x0], $0xffff  }
0x66: {  	v34 =	vadd.f32 v53, v11;
	v61 =	vand.u32 $0x7E, v49;
	v36 =	vmul.f32 v36, v23;
	v42 =	vld.idx.msk [tilespmem:v42+s15+$0x0], $0xffff  }
0x67: {  	v49 =	vor.u32 v4, v16;
	v37 =	vadd.f32 v37, v9;
	v44 =	vmul.f32 v44, v26  }
0x68: {  	s7 =	simm.s32 $0x9;
	v40 =	vor.u32 v2, v30;
	[tilespmem:s30+$0xFFFFFFD0] =	vst v34;
	v36 =	vadd.f32 v36, v10;
	v57 =	vmul.f32 v38, v22  }
0x69: {  	v47 =	vmov s7;
	[tilespmem:s30+$0x50] =	vst v37;
	v46 =	vmul.f32 v46, v26;
	v60 =	vadd.f32 v44, v17;
	v44 =	vld.idx.msk [tilespmem:v54+s15+$0x0], $0xffff  }
0x6a: {  	v59 =	vand.u32 $0x7D, v47;
	[tilespmem:s30+$0xFFFFFF50] =	vst v36;
	v45 =	vld.idx.msk [tilespmem:v55+s15+$0x0], $0xffff;
	v63 =	vmul.f32 v56, v26;
	v62 =	vadd.f32 v57, v13  }
0x6b: {  	v33 =	vbroadcast v61, $0x0;
	v43 =	vld.idx.msk [tilespmem:v50+s15+$0x0], $0xffff;
	v52 =	vmul.f32 v42, v26;
	v46 =	vadd.f32 v46, v14;
	[tilespmem:s0+$0xA0] =	vst v60  }
0x6c: {  	s10 =	simm.s32 $0xB;
	v34 =	vbroadcast v59, $0x0;
	v37 =	vor.u32 v0, v30;
	v50 =	vadd.f32 v63, v19;
	v47 =	vld.idx.msk [tilespmem:v51+s15+$0x0], $0xffff;
	[tilespmem:s30+$0xE0] =	vst v62  }
0x6d: {  	s31 =	simm.s32 $0xE700;
	s6 =	simm.s32 $0xC;
	v38 =	vmov s10;
	v51 =	vadd.f32 v52, v18;
	[tilespmem:s0+$0xFFFFFFA0] =	vst v46;
	v46 =	vor.u32 v8, v35;
	v42 =	vld.idx.msk [tilespmem:v58+s15+$0x0], $0xffff  }
.LBB2_3:
0x6e: {  	p0 =	slt.u32 s6, $0x3C;
	v35 =	vand.u32 $0x7F, v38;
	v38 =	vld.idx.msk [tilespmem:v48+s15+$0x0], $0xffff;
	[tilespmem:s0+$0x20] =	vst v50;
	v52 =	vmul.f32 v44, v22;
	v39 =	vor.u32 v8, v25  }
0x6f: {  	v44 =	vor.u32 v0, v34;
	v53 =	vmul.f32 v45, v22;
	v35 =	vbroadcast v35, $0x0;
	[tilespmem:s0+$0xFFFFFF20] =	vst v51;
	v48 =	vld.idx.msk [tilespmem:v49+s15+$0x0], $0xffff  }
0x70: {  	v45 =	vor.u32 v0, v33;
	v43 =	vmul.f32 v43, v22;
	v41 =	vld.idx.msk [tilespmem:v41+s15+$0x0], $0xffff;
	v49 =	vadd.f32 v52, v11  }
0x71: {  	s7 =	sadd.s32 s2, s24;
	v36 =	vmovc v34;
	s2 =	smov.u32 s6;
	v47 =	vmul.f32 v47, v27;
	v51 =	vadd.f32 v53, v9;
	v50 =	vor.u32 v0, v35  }
0x72: {  	v25 =	vmovc v16;
	v34 =	vmov s7;
	s8 =	sadd.s32 $0x1, s7;
	s10 =	sadd.s32 $0x2, s7;
	s7 =	sadd.s32 $0x3, s7;
	v52 =	vor.u32 v5, v21;
	v42 =	vmul.f32 v42, v20;
	v37 =	vld.idx.msk [tilespmem:v37+s15+$0x0], $0xffff;
	[tilespmem:s30+$0xFFFFFFE0] =	vst v49  }
0x73: {  	v16 =	vmovc v33;
	v53 =	vmov s7;
	v49 =	vmov s8;
	v47 =	vadd.f32 v47, v17;
	v46 =	vld.idx.msk [tilespmem:v46+s15+$0x0], $0xffff;
	[tilespmem:s30+$0x60] =	vst v51  }
0x74: {  	v33 =	vand.u32 $0xFFFFFFFD, v49;
	v49 =	vmov s10;
	v42 =	vadd.f32 v42, v13;
	v13 =	vmovc v17;
	v39 =	vld.idx.msk [tilespmem:v39+s15+$0x0], $0xffff  }
0x75: {  	v17 =	vand.u32 $0xFFFFFFFC, v34;
	v33 =	vbroadcast v33, $0x0;
	v34 =	vld.idx.msk [tilespmem:v44+s15+$0x0], $0xffff;
	v44 =	vand.u32 $0xFFFFFFFE, v49;
	[tilespmem:s0+$0xB0] =	vst v47  }
0x76: {  	v43 =	vadd.f32 v43, v10;
	v47 =	vbroadcast v17, $0x0;
	v44 =	vbroadcast v44, $0x0;
	v49 =	vld.idx.msk [tilespmem:v50+s15+$0x0], $0xffff;
	[tilespmem:s30+$0xF0] =	vst v42  }
0x77: {  	v38 =	vmul.f32 v38, v27;
	v48 =	vmul.f32 v48, v27;
	v42 =	vor.u32 v5, v15;
	v50 =	vld.idx.msk [tilespmem:v52+s15+$0x0], $0xffff  }
0x78: {  	v51 =	vor.u32 v5, v25;
	v41 =	vmul.f32 v41, v27;
	v17 =	vld.idx.msk [tilespmem:v53+s9+$0x0], $0xffff;
	[tilespmem:s30+$0xFFFFFF60] =	vst v43  }
0x79: {  	v38 =	vadd.f32 v38, v14;
	v43 =	vadd.f32 v48, v19;
	v46 =	vmul.f32 v46, v20;
	v31 =	vld.idx.msk [tilespmem:v31+s15+$0x0], $0xffff  }
0x7a: {  	v41 =	vadd.f32 v41, v18;
	v48 =	vor.u32 v2, v36;
	v39 =	vmul.f32 v39, v20;
	v45 =	vld.idx.msk [tilespmem:v45+s15+$0x0], $0xffff  }
0x7b: {  	v52 =	vor.u32 v2, v16;
	[tilespmem:s0+$0xFFFFFFB0] =	vst v38;
	v38 =	vadd.f32 v46, v11;
	v11 =	vmov v14;
	v14 =	vld.idx.msk [tilespmem:v33+s9+$0x0], $0xffff  }
0x7c: {  	v46 =	vor.u32 v2, v35;
	v33 =	vld.idx.msk [tilespmem:v44+s9+$0x0], $0xffff;
	v44 =	vmul.f32 v49, v29;
	[tilespmem:s0+$0x30] =	vst v43  }
0x7d: {  	v43 =	vld.idx.msk [tilespmem:v47+s9+$0x0], $0xffff;
	[tilespmem:s0+$0xFFFFFF30] =	vst v41;
	v41 =	vmul.f32 v50, v24;
	v47 =	vor.u32 v6, v21  }
0x7e: {  	v44 =	vadd.f32 v44, v17;
	v42 =	vld.idx.msk [tilespmem:v42+s15+$0x0], $0xffff;
	[tilespmem:s30+$0xFFFFFFF0] =	vst v38;
	v38 =	vadd.f32 v39, v9;
	v9 =	vmov v19  }
0x7f: {  	v49 =	vmul.f32 v34, v29;
	s0 =	sadd.s32 $0x200, s0;
	v31 =	vmul.f32 v31, v20;
	v34 =	vld.idx.msk [tilespmem:v51+s15+$0x0], $0xffff;
	v39 =	vadd.f32 v41, v13  }
0x80: {  	v37 =	vmul.f32 v37, v29;
	v41 =	vmul.f32 v45, v29;
	[tilespmem:s0+$0x80] =	vst v44;
	v32 =	vld.idx.msk [tilespmem:v32+s15+$0x0], $0xffff  }
0x81: {  	v44 =	vadd.f32 v49, v14;
	v31 =	vadd.f32 v31, v10;
	v10 =	vmov v18;
	v45 =	vld.idx.msk [tilespmem:v46+s15+$0x0], $0xffff;
	[tilespmem:s31+$0xC0] =	vst v39  }
0x82: {  	v46 =	vadd.f32 v41, v33;
	v19 =	vmov v33;
	v39 =	vld.idx.msk [tilespmem:v47+s15+$0x0], $0xffff;
	[tilespmem:s30+$0x70] =	vst v38  }
0x83: {  	v33 =	vadd.f32 v37, v43;
	v37 =	vor.u32 v3, v30;
	v38 =	vor.u32 v6, v12;
	[tilespmem:s0+$0xFFFFFF80] =	vst v44  }
0x84: {  	v18 =	vmov v43;
	v42 =	vmul.f32 v42, v24;
	v44 =	vor.u32 v6, v15;
	v41 =	vld.idx.msk [tilespmem:v48+s15+$0x0], $0xffff;
	[tilespmem:s0+$0x0] =	vst v46  }
0x85: {  	v43 =	vor.u32 v6, v25;
	v34 =	vmul.f32 v34, v24;
	[tilespmem:s0+$0xFFFFFF00] =	vst v33;
	v33 =	vld.idx.msk [tilespmem:v52+s15+$0x0], $0xffff  }
0x86: {  	v32 =	vmul.f32 v32, v24;
	v42 =	vadd.f32 v42, v11;
	v40 =	vld.idx.msk [tilespmem:v40+s15+$0x0], $0xffff;
	[tilespmem:s30+$0xFFFFFF70] =	vst v31;
	s30 =	smov.u32 s31;
	s31 =	smov.u32 s0  }
0x87: {  	v31 =	vmul.f32 v45, v28;
	v45 =	vor.u32 v3, v35;
	v34 =	vadd.f32 v34, v9  }
0x88: {  	v32 =	vadd.f32 v32, v10;
	v39 =	vmul.f32 v39, v23;
	[tilespmem:s30+$0xFFFFFFC0] =	vst v42;
	v42 =	vor.u32 v7, v21  }
0x89: {  	v46 =	vor.u32 v3, v36;
	v31 =	vadd.f32 v31, v17;
	v44 =	vld.idx.msk [tilespmem:v44+s15+$0x0], $0xffff;
	[tilespmem:s30+$0x40] =	vst v34  }
0x8a: {  	v34 =	vmul.f32 v41, v28;
	[tilespmem:s30+$0xFFFFFF40] =	vst v32;
	v41 =	vld.idx.msk [tilespmem:v43+s15+$0x0], $0xffff;
	v32 =	vadd.f32 v39, v13  }
0x8b: {  	v39 =	vmov s6;
	v33 =	vmul.f32 v33, v28;
	v43 =	vor.u32 v3, v16;
	[tilespmem:s0+$0x90] =	vst v31;
	v38 =	vld.idx.msk [tilespmem:v38+s15+$0x0], $0xffff  }
0x8c: {  	s7 =	sadd.s32 $0x1, s6;
	v39 =	vand.u32 $0x7C, v39;
	v40 =	vmul.f32 v40, v28;
	v34 =	vadd.f32 v34, v14;
	v45 =	vld.idx.msk [tilespmem:v45+s15+$0x0], $0xffff;
	[tilespmem:s30+$0xD0] =	vst v32  }
0x8d: {  	v47 =	vmov s7;
	v31 =	vor.u32 v8, v12;
	v33 =	vadd.f32 v33, v19;
	v42 =	vld.idx.msk [tilespmem:v42+s15+$0x0], $0xffff  }
0x8e: {  	v50 =	vor.u32 v7, v12;
	s7 =	sadd.s32 $0x2, s6;
	v32 =	vor.u32 v5, v30;
	v40 =	vadd.f32 v40, v18;
	[tilespmem:s0+$0xFFFFFF90] =	vst v34  }
0x8f: {  	v12 =	vmovc v30;
	v34 =	vmov s7;
	v46 =	vld.idx.msk [tilespmem:v46+s15+$0x0], $0xffff;
	[tilespmem:s0+$0x10] =	vst v33;
	v33 =	vmul.f32 v44, v23;
	v44 =	vor.u32 v7, v15  }
0x90: {  	v30 =	vbroadcast v39, $0x0;
	[tilespmem:s0+$0xFFFFFF10] =	vst v40;
	v39 =	vld.idx.msk [tilespmem:v43+s15+$0x0], $0xffff;
	v40 =	vmul.f32 v41, v23;
	v43 =	vor.u32 v7, v25  }
0x91: {  	v41 =	vor.u32 v4, v12;
	v38 =	vmul.f32 v38, v23;
	v37 =	vld.idx.msk [tilespmem:v37+s15+$0x0], $0xffff;
	v33 =	vadd.f32 v33, v11  }
0x92: {  	v51 =	vor.u32 v4, v35;
	v45 =	vmul.f32 v45, v26;
	v40 =	vadd.f32 v40, v9  }
0x93: {  	v21 =	vor.u32 v8, v21;
	v38 =	vadd.f32 v38, v10;
	[tilespmem:s30+$0xFFFFFFD0] =	vst v33;
	v33 =	vmul.f32 v42, v22  }
0x94: {  	v48 =	vor.u32 v4, v36;
	v42 =	vand.u32 $0x7D, v47;
	v47 =	vadd.f32 v45, v17;
	v44 =	vld.idx.msk [tilespmem:v44+s15+$0x0], $0xffff;
	[tilespmem:s30+$0x50] =	vst v40  }
.Ltmp0:
0x95: {  	v40 =	vand.u32 $0x7E, v34;
	v46 =	vmul.f32 v46, v26;
	[tilespmem:s30+$0xFFFFFF50] =	vst v38;
	v45 =	vld.idx.msk [tilespmem:v43+s15+$0x0], $0xffff;
	v38 =	vadd.f32 v33, v13;
	(pc) =	sbr.rel @p0 .LBB2_3-.Ltmp0, $4  }
0x96: {  	v49 =	vor.u32 v4, v16;
	v34 =	vbroadcast v42, $0x0;
	v39 =	vmul.f32 v39, v26;
	[tilespmem:s0+$0xA0] =	vst v47;
	v43 =	vld.idx.msk [tilespmem:v50+s15+$0x0], $0xffff  }
0x97: {  	v33 =	vbroadcast v40, $0x0;
	v52 =	vmul.f32 v37, v26;
	v46 =	vadd.f32 v46, v14;
	v47 =	vld.idx.msk [tilespmem:v51+s15+$0x0], $0xffff;
	[tilespmem:s30+$0xE0] =	vst v38  }
0x98: {  	s7 =	sadd.s32 $0x3, s6;
	v40 =	vor.u32 v2, v30;
	v37 =	vor.u32 v0, v30;
	v50 =	vadd.f32 v39, v19;
	v42 =	vld.idx.msk [tilespmem:v21+s15+$0x0], $0xffff  }
0x99: {  	s6 =	sadd.s32 $0x4, s6;
	v38 =	vmov s7;
	v51 =	vadd.f32 v52, v18;
	v21 =	vmovc v35;
	[tilespmem:s0+$0xFFFFFFA0] =	vst v46;
	v46 =	vor.u32 v8, v15;
	v15 =	vmovc v36  }
0x9a: {  	v35 =	vand.u32 $0x7F, v38;
	s2 =	sadd.s32 s2, s24  }
0x9b: {  	v59 =	vor.u32 v0, v34;
	v39 =	vbroadcast v35, $0x0;
	s7 =	sadd.s32 $0x3, s2  }
0x9c: {  	s6 =	sadd.s32 $0x1, s2;
	v52 =	vmov s7  }
0x9d: {  	s8 =	sadd.s32 $0x2, s2;
	v60 =	vmov s6;
	v36 =	vor.u32 v0, v39  }
0x9e: {  	v53 =	vor.u32 v0, v33;
	v54 =	vmov s8;
	v38 =	vand.u32 $0xFFFFFFFD, v60  }
0x9f: {  	v61 =	vmov s2;
	v54 =	vand.u32 $0xFFFFFFFE, v54;
	v55 =	vbroadcast v38, $0x0  }
0xa0: {  	v38 =	vand.u32 $0xFFFFFFFC, v61;
	v62 =	vbroadcast v54, $0x0;
	v56 =	vld.idx.msk [tilespmem:v59+s15+$0x0], $0xffff  }
0xa1: {  	v63 =	vbroadcast v38, $0x0;
	v38 =	vld.idx.msk [tilespmem:v52+s9+$0x0], $0xffff  }
0xa2: {  	v57 =	vld.idx.msk [tilespmem:v36+s15+$0x0], $0xffff  }
0xa3: {  	v52 =	vld.idx.msk [tilespmem:v53+s15+$0x0], $0xffff  }
0xa4: {  	v53 =	vld.idx.msk [tilespmem:v37+s15+$0x0], $0xffff  }
0xa5: {  	v36 =	vld.idx.msk [tilespmem:v55+s9+$0x0], $0xffff  }
0xa6: {  	v35 =	vld.idx.msk [tilespmem:v62+s9+$0x0], $0xffff  }
0xa7: {  	v61 =	vor.u32 v2, v39;
	v37 =	vld.idx.msk [tilespmem:v63+s9+$0x0], $0xffff;
	v60 =	vmul.f32 v57, v29  }
0xa8: {  	v58 =	vor.u32 v2, v34;
	v62 =	vmul.f32 v56, v29  }
0xa9: {  	v63 =	vor.u32 v2, v33;
	v52 =	vmul.f32 v52, v29;
	v55 =	vadd.f32 v60, v38  }
0xaa: {  	s10 =	sadd.s32 $0x200, s0;
	v29 =	vmul.f32 v53, v29;
	v54 =	vadd.f32 v62, v36  }
0xab: {  	v52 =	vadd.f32 v52, v35;
	[tilespmem:s10+$0x80] =	vst v55  }
0xac: {  	v29 =	vadd.f32 v29, v37;
	[tilespmem:s10+$0xFFFFFF80] =	vst v54;
	v57 =	vld.idx.msk [tilespmem:v61+s15+$0x0], $0xffff  }
0xad: {  	[tilespmem:s10+$0x0] =	vst v52;
	v54 =	vld.idx.msk [tilespmem:v58+s15+$0x0], $0xffff  }
0xae: {  	[tilespmem:s10+$0xFFFFFF00] =	vst v29;
	v29 =	vld.idx.msk [tilespmem:v63+s15+$0x0], $0xffff  }
0xaf: {  	v40 =	vld.idx.msk [tilespmem:v40+s15+$0x0], $0xffff;
	_ =	sdelay $0x1  }
0xb0: {  	[tilespmem:s0+$0xFFFFFF20] =	vst v51;
	v60 =	vor.u32 v3, v39;
	v59 =	vmul.f32 v57, v28  }
0xb1: {  	v41 =	vld.idx.msk [tilespmem:v41+s15+$0x0], $0xffff;
	v61 =	vor.u32 v3, v34;
	v54 =	vmul.f32 v54, v28  }
0xb2: {  	v48 =	vld.idx.msk [tilespmem:v48+s15+$0x0], $0xffff;
	v62 =	vor.u32 v3, v33;
	v29 =	vmul.f32 v29, v28;
	v52 =	vadd.f32 v59, v38  }
0xb3: {  	[tilespmem:s0+$0x20] =	vst v50;
	v63 =	vor.u32 v3, v30;
	v28 =	vmul.f32 v40, v28;
	v54 =	vadd.f32 v54, v36  }
0xb4: {  	v49 =	vld.idx.msk [tilespmem:v49+s15+$0x0], $0xffff;
	v29 =	vadd.f32 v29, v35;
	[tilespmem:s10+$0x90] =	vst v52  }
0xb5: {  	v45 =	vmul.f32 v45, v22;
	v28 =	vadd.f32 v28, v37;
	[tilespmem:s10+$0xFFFFFF90] =	vst v54;
	v52 =	vld.idx.msk [tilespmem:v60+s15+$0x0], $0xffff  }
0xb6: {  	v44 =	vmul.f32 v44, v22;
	v41 =	vmul.f32 v41, v27;
	[tilespmem:s10+$0x10] =	vst v29;
	v50 =	vld.idx.msk [tilespmem:v61+s15+$0x0], $0xffff  }
0xb7: {  	v47 =	vmul.f32 v47, v27;
	v29 =	vadd.f32 v45, v9;
	[tilespmem:s10+$0xFFFFFF10] =	vst v28;
	v28 =	vld.idx.msk [tilespmem:v62+s15+$0x0], $0xffff  }
0xb8: {  	v44 =	vadd.f32 v44, v11;
	v41 =	vadd.f32 v41, v18;
	v40 =	vld.idx.msk [tilespmem:v63+s15+$0x0], $0xffff  }
0xb9: {  	v55 =	vadd.f32 v47, v17;
	v54 =	vor.u32 v5, v21;
	[tilespmem:s30+$0x60] =	vst v29;
	v29 =	vmul.f32 v48, v27  }
0xba: {  	[tilespmem:s30+$0xFFFFFFE0] =	vst v44;
	v57 =	vmul.f32 v49, v27;
	v59 =	vor.u32 v4, v39;
	v58 =	vmul.f32 v52, v26  }
0xbb: {  	[tilespmem:s0+$0xFFFFFF30] =	vst v41;
	v60 =	vor.u32 v4, v34;
	v29 =	vadd.f32 v29, v14;
	v50 =	vmul.f32 v50, v26  }
0xbc: {  	[tilespmem:s0+$0xB0] =	vst v55;
	v61 =	vor.u32 v4, v33;
	v28 =	vmul.f32 v28, v26;
	v49 =	vadd.f32 v58, v38  }
0xbd: {  	[tilespmem:s0+$0xFFFFFFB0] =	vst v29;
	v29 =	vor.u32 v4, v30;
	v26 =	vmul.f32 v40, v26;
	v62 =	vadd.f32 v50, v36  }
0xbe: {  	v56 =	vor.u32 v5, v15;
	v45 =	vld.idx.msk [tilespmem:v54+s15+$0x0], $0xffff;
	v28 =	vadd.f32 v28, v35;
	[tilespmem:s10+$0xA0] =	vst v49  }
0xbf: {  	v63 =	vor.u32 v5, v16;
	v26 =	vadd.f32 v26, v37;
	[tilespmem:s10+$0xFFFFFFA0] =	vst v62;
	v49 =	vld.idx.msk [tilespmem:v59+s15+$0x0], $0xffff  }
0xc0: {  	v25 =	vor.u32 v8, v25;
	v43 =	vmul.f32 v43, v22;
	[tilespmem:s10+$0x20] =	vst v28;
	v44 =	vld.idx.msk [tilespmem:v60+s15+$0x0], $0xffff  }
0xc1: {  	v42 =	vmul.f32 v42, v20;
	v51 =	vadd.f32 v57, v19;
	[tilespmem:s10+$0xFFFFFF20] =	vst v26;
	v26 =	vld.idx.msk [tilespmem:v61+s15+$0x0], $0xffff  }
0xc2: {  	v53 =	vor.u32 v6, v21;
	v55 =	vor.u32 v5, v39;
	v28 =	vadd.f32 v43, v10;
	v29 =	vld.idx.msk [tilespmem:v29+s15+$0x0], $0xffff  }
0xc3: {  	[tilespmem:s0+$0x30] =	vst v51;
	v47 =	vld.idx.msk [tilespmem:v56+s15+$0x0], $0xffff;
	v56 =	vor.u32 v5, v34;
	v52 =	vmul.f32 v45, v24  }
0xc4: {  	v58 =	vor.u32 v5, v33;
	[tilespmem:s30+$0xFFFFFF60] =	vst v28;
	v28 =	vld.idx.msk [tilespmem:v63+s15+$0x0], $0xffff;
	v54 =	vmul.f32 v49, v27  }
0xc5: {  	v32 =	vld.idx.msk [tilespmem:v32+s15+$0x0], $0xffff;
	v50 =	vor.u32 v7, v21;
	v40 =	vadd.f32 v52, v17;
	v44 =	vmul.f32 v44, v27  }
0xc6: {  	v46 =	vld.idx.msk [tilespmem:v46+s15+$0x0], $0xffff;
	v59 =	vor.u32 v5, v30;
	v26 =	vmul.f32 v26, v27;
	v57 =	vadd.f32 v54, v38  }
0xc7: {  	v60 =	vor.u32 v6, v15;
	[tilespmem:s31+$0xC0] =	vst v40;
	v27 =	vmul.f32 v29, v27;
	v29 =	vadd.f32 v44, v36  }
0xc8: {  	v47 =	vmul.f32 v47, v24;
	v43 =	vld.idx.msk [tilespmem:v53+s15+$0x0], $0xffff;
	v26 =	vadd.f32 v26, v35;
	[tilespmem:s10+$0xB0] =	vst v57  }
0xc9: {  	v28 =	vmul.f32 v28, v24;
	v27 =	vadd.f32 v27, v37;
	[tilespmem:s10+$0xFFFFFFB0] =	vst v29;
	v45 =	vld.idx.msk [tilespmem:v55+s15+$0x0], $0xffff  }
0xca: {  	v62 =	vadd.f32 v47, v14;
	v29 =	vmul.f32 v32, v24;
	[tilespmem:s10+$0x30] =	vst v26;
	v26 =	vld.idx.msk [tilespmem:v56+s15+$0x0], $0xffff  }
0xcb: {  	v61 =	vor.u32 v6, v16;
	v28 =	vadd.f32 v28, v19;
	[tilespmem:s10+$0xFFFFFF30] =	vst v27;
	v27 =	vld.idx.msk [tilespmem:v58+s15+$0x0], $0xffff  }
0xcc: {  	v63 =	vor.u32 v6, v12;
	[tilespmem:s31+$0xFFFFFFC0] =	vst v62;
	v29 =	vadd.f32 v29, v18;
	v48 =	vld.idx.msk [tilespmem:v59+s15+$0x0], $0xffff  }
0xcd: {  	v52 =	vor.u32 v6, v34;
	v51 =	vld.idx.msk [tilespmem:v60+s15+$0x0], $0xffff;
	v49 =	vmul.f32 v43, v23;
	[tilespmem:s31+$0x40] =	vst v28  }
0xce: {  	v28 =	vld.idx.msk [tilespmem:v31+s15+$0x0], $0xffff;
	v31 =	vor.u32 v6, v39;
	[tilespmem:s31+$0xFFFFFF40] =	vst v29;
	v29 =	vmul.f32 v45, v24  }
0xcf: {  	v25 =	vld.idx.msk [tilespmem:v25+s15+$0x0], $0xffff;
	v54 =	vor.u32 v6, v33;
	v41 =	vadd.f32 v49, v17;
	v26 =	vmul.f32 v26, v24  }
0xd0: {  	v55 =	vor.u32 v6, v30;
	v40 =	vld.idx.msk [tilespmem:v61+s15+$0x0], $0xffff;
	v27 =	vmul.f32 v27, v24;
	v29 =	vadd.f32 v29, v38  }
0xd1: {  	[tilespmem:s31+$0xD0] =	vst v41;
	v53 =	vld.idx.msk [tilespmem:v63+s15+$0x0], $0xffff;
	v24 =	vmul.f32 v48, v24;
	v26 =	vadd.f32 v26, v36  }
0xd2: {  	v57 =	vmul.f32 v51, v23;
	v56 =	vld.idx.msk [tilespmem:v50+s15+$0x0], $0xffff;
	v27 =	vadd.f32 v27, v35;
	[tilespmem:s10+$0xC0] =	vst v29  }
0xd3: {  	v24 =	vadd.f32 v24, v37;
	v29 =	vor.u32 v7, v15;
	[tilespmem:s10+$0xFFFFFFC0] =	vst v26;
	v31 =	vld.idx.msk [tilespmem:v31+s15+$0x0], $0xffff  }
0xd4: {  	v13 =	vadd.f32 v42, v13;
	v58 =	vor.u32 v7, v16;
	[tilespmem:s10+$0x40] =	vst v27;
	v59 =	vld.idx.msk [tilespmem:v52+s15+$0x0], $0xffff  }
0xd5: {  	v42 =	vadd.f32 v57, v14;
	v26 =	vmul.f32 v40, v23;
	[tilespmem:s10+$0xFFFFFF40] =	vst v24;
	v24 =	vld.idx.msk [tilespmem:v54+s15+$0x0], $0xffff  }
0xd6: {  	[tilespmem:s30+$0xF0] =	vst v13;
	v13 =	vmul.f32 v46, v20;
	v21 =	vor.u32 v8, v21;
	v41 =	vld.idx.msk [tilespmem:v55+s15+$0x0], $0xffff  }
0xd7: {  	v60 =	vor.u32 v7, v12;
	[tilespmem:s31+$0xFFFFFFD0] =	vst v42;
	v27 =	vmul.f32 v53, v23;
	v26 =	vadd.f32 v26, v19  }
0xd8: {  	v62 =	vor.u32 v7, v34;
	v61 =	vor.u32 v7, v39;
	v29 =	vld.idx.msk [tilespmem:v29+s15+$0x0], $0xffff;
	v31 =	vmul.f32 v31, v23  }
0xd9: {  	v63 =	vor.u32 v7, v33;
	v27 =	vadd.f32 v27, v18;
	[tilespmem:s31+$0x50] =	vst v26;
	v26 =	vmul.f32 v59, v23  }
0xda: {  	v32 =	vmul.f32 v56, v22;
	v40 =	vld.idx.msk [tilespmem:v58+s15+$0x0], $0xffff;
	v24 =	vmul.f32 v24, v23;
	v31 =	vadd.f32 v31, v38  }
0xdb: {  	[tilespmem:s31+$0xFFFFFF50] =	vst v27;
	v27 =	vor.u32 v7, v30;
	v23 =	vmul.f32 v41, v23;
	v26 =	vadd.f32 v26, v36  }
0xdc: {  	v15 =	vor.u32 v8, v15;
	v44 =	vld.idx.msk [tilespmem:v60+s15+$0x0], $0xffff;
	v24 =	vadd.f32 v24, v35;
	[tilespmem:s10+$0xD0] =	vst v31  }
0xdd: {  	v23 =	vadd.f32 v23, v37;
	v29 =	vmul.f32 v29, v22;
	[tilespmem:s10+$0xFFFFFFD0] =	vst v26;
	v31 =	vld.idx.msk [tilespmem:v61+s15+$0x0], $0xffff  }
0xde: {  	v16 =	vor.u32 v8, v16;
	v26 =	vadd.f32 v32, v17;
	[tilespmem:s10+$0x50] =	vst v24;
	v46 =	vld.idx.msk [tilespmem:v62+s15+$0x0], $0xffff  }
0xdf: {  	v24 =	vmul.f32 v40, v22;
	[tilespmem:s10+$0xFFFFFF50] =	vst v23;
	v23 =	vld.idx.msk [tilespmem:v63+s15+$0x0], $0xffff;
	v29 =	vadd.f32 v29, v14  }
0xe0: {  	v11 =	vadd.f32 v13, v11;
	v12 =	vor.u32 v8, v12;
	[tilespmem:s31+$0xE0] =	vst v26;
	v13 =	vld.idx.msk [tilespmem:v27+s15+$0x0], $0xffff  }
0xe1: {  	v26 =	vmul.f32 v44, v22;
	v24 =	vadd.f32 v24, v19;
	v21 =	vld.idx.msk [tilespmem:v21+s15+$0x0], $0xffff;
	[tilespmem:s31+$0xFFFFFFE0] =	vst v29  }
0xe2: {  	[tilespmem:s30+$0xFFFFFFF0] =	vst v11;
	v27 =	vor.u32 v8, v39;
	v11 =	vld.idx.msk [tilespmem:v15+s15+$0x0], $0xffff;
	v15 =	vmul.f32 v31, v22  }
0xe3: {  	[tilespmem:s31+$0x60] =	vst v24;
	v24 =	vadd.f32 v26, v18;
	v26 =	vor.u32 v8, v34;
	v29 =	vmul.f32 v46, v22  }
0xe4: {  	v16 =	vld.idx.msk [tilespmem:v16+s15+$0x0], $0xffff;
	v31 =	vor.u32 v8, v33;
	v23 =	vmul.f32 v23, v22;
	v15 =	vadd.f32 v15, v38  }
0xe5: {  	[tilespmem:s31+$0xFFFFFF60] =	vst v24;
	v24 =	vor.u32 v8, v30;
	v13 =	vmul.f32 v13, v22;
	v22 =	vadd.f32 v29, v36  }
0xe6: {  	v25 =	vmul.f32 v25, v20;
	v12 =	vld.idx.msk [tilespmem:v12+s15+$0x0], $0xffff;
	[tilespmem:s10+$0xE0] =	vst v15;
	v15 =	vadd.f32 v23, v35  }
0xe7: {  	v13 =	vadd.f32 v13, v37;
	v23 =	vmul.f32 v28, v20;
	[tilespmem:s10+$0xFFFFFFE0] =	vst v22;
	v27 =	vld.idx.msk [tilespmem:v27+s15+$0x0], $0xffff  }
0xe8: {  	v9 =	vadd.f32 v25, v9;
	v21 =	vmul.f32 v21, v20;
	v22 =	vld.idx.msk [tilespmem:v26+s15+$0x0], $0xffff;
	[tilespmem:s10+$0x60] =	vst v15  }
0xe9: {  	v11 =	vmul.f32 v11, v20;
	[tilespmem:s10+$0xFFFFFF60] =	vst v13;
	v10 =	vadd.f32 v23, v10;
	v15 =	vld.idx.msk [tilespmem:v31+s15+$0x0], $0xffff  }
0xea: {  	[tilespmem:s30+$0x70] =	vst v9;
	v9 =	vadd.f32 v21, v17;
	v13 =	vmul.f32 v16, v20;
	v16 =	vld.idx.msk [tilespmem:v24+s15+$0x0], $0xffff  }
0xeb: {  	[tilespmem:s30+$0xFFFFFF70] =	vst v10;
	v10 =	vadd.f32 v11, v14;
	v11 =	vmul.f32 v12, v20  }
0xec: {  	[tilespmem:s31+$0xF0] =	vst v9;
	v9 =	vadd.f32 v13, v19;
	v12 =	vmul.f32 v27, v20  }
0xed: {  	[tilespmem:s31+$0xFFFFFFF0] =	vst v10;
	v10 =	vadd.f32 v11, v18;
	v11 =	vmul.f32 v22, v20  }
0xee: {  	[tilespmem:s31+$0x70] =	vst v9;
	v9 =	vadd.f32 v12, v38;
	v12 =	vmul.f32 v15, v20  }
0xef: {  	[tilespmem:s31+$0xFFFFFF70] =	vst v10;
	v10 =	vadd.f32 v11, v36;
	v11 =	vmul.f32 v16, v20  }
0xf0: {  	s6 =	sshll.u32 s25, $0x13;
	[tilespmem:s10+$0xF0] =	vst v9;
	v9 =	vadd.f32 v12, v35  }
0xf1: {  	s0 =	sor.u32 s4, s6;
	[tilespmem:s10+$0xFFFFFFF0] =	vst v10;
	v10 =	vadd.f32 v11, v37  }
0xf2: {  	s0 =	sshrl.u32 s0, $0x3;
	[tilespmem:s10+$0x70] =	vst v9  }
0xf3: {  	p0 =	seq.s32 s25, $0x63;
	s0 =	sadd.s32 s1, s0;
	[tilespmem:s10+$0xFFFFFF70] =	vst v10  }
0xf4: {  	[hbm4b:s0+s11] =	stream.strided.scatter [tilespmem:s18], [sflag:$0x3], $0x2000, s12, s11, $0x38;
	[tilespmem:$0x15600] =	vst v63  }
0xf5: {  	p1 =	seq.s32 @!p0 s25, $0x0;
	_ =	swait.ge [sflag:s19], $0x4000  }
0xf6: {  	s2 =	simm.s32 @!p0 $0x80;
	s7 =	simm.s32 $0x3;
	[sflag:s19] =	ssyncset.done $0x0  }
0xf7: {  	s6 =	simm.s32 @!p0 $0x6400;
	s0 =	sadd.s32 @!p0 $0x100, s29;
	[sflag:s19] =	ssyncadd.s32 $0xFFFFC000  }
0xf8: {  	v9 =	vmov s7;
	[tilespmem:s6], [sflag:$0x1] =	stream.indirect.gather @!p0 [hbm4b:s5+s2], $0x80, s0, s2, $0xb8;
	[tilespmem:$0x15600] =	vst v63  }
0xf9: {  	v9 =	vand.u32 $0x7F, v9;
	p0 =	por p0, !p1  }
0xfa: {  	s8 =	simm.s32 $0x0;
	v31 =	vbroadcast v9, $0x0;
	_ =	swait.ge @p0 [sflag:s22], $0x2000  }
0xfb: {  	v10 =	vmov s8;
	s10 =	simm.s32 $0x1;
	[sflag:s22] =	ssyncset.done @p0 $0x0  }
0xfc: {  	v10 =	vand.u32 $0x7C, v10;
	v11 =	vmov s10;
	v12 =	vor.u32 v0, v31;
	s6 =	simm.s32 $0x2;
	[sflag:s22] =	ssyncadd.s32 @p0 $0xFFFFE000  }
0xfd: {  	s31 =	sadd.s32 $0x0, s24;
	v34 =	vbroadcast v10, $0x0;
	v10 =	vand.u32 $0x7D, v11;
	v11 =	vmov s6;
	v9 =	vld [tilespmem:s28+$0x0]  }
0xfe: {  	s8 =	sadd.s32 $0x40, s31;
	v22 =	vbroadcast v10, $0x0;
	v11 =	vand.u32 $0x7E, v11;
	v13 =	vld [tilespmem:s28+$0x10]  }
0xff: {  	s7 =	sadd.s32 $0x43, s31;
	s10 =	sadd.s32 $0x41, s31;
	v17 =	vor.u32 v0, v34;
	v25 =	vbroadcast v11, $0x0;
	v11 =	vmov s8;
	v15 =	vld [tilespmem:s28+$0x20]  }
0x100: {  	v19 =	vmov s10;
	v10 =	vmov s7;
	v16 =	vld [tilespmem:s28+$0x30];
	v11 =	vand.u32 $0xFFFFFFFC, v11  }
0x101: {  	v18 =	vor.u32 v0, v22;
	v23 =	vld.idx.msk [tilespmem:v12+s17+$0x0], $0xffff;
	v12 =	vand.u32 $0xFFFFFFFD, v19;
	v11 =	vbroadcast v11, $0x0  }
0x102: {  	v14 =	vld [tilespmem:s28+$0x40];
	v26 =	vbroadcast v12, $0x0  }
0x103: {  	s0 =	sadd.s32 $0x42, s31;
	v24 =	vld [tilespmem:s28+$0x50]  }
0x104: {  	v20 =	vmov s0;
	v17 =	vld.idx.msk [tilespmem:v17+s17+$0x0], $0xffff  }
0x105: {  	v20 =	vand.u32 $0xFFFFFFFE, v20;
	v19 =	vor.u32 v0, v25;
	v12 =	vld.idx.msk [tilespmem:v10+s9+$0x0], $0xffff  }
0x106: {  	v10 =	vbroadcast v20, $0x0;
	v18 =	vld.idx.msk [tilespmem:v18+s17+$0x0], $0xffff;
	vm0 =	veq.s32 v9, $0x0  }
0x107: {  	v30 =	vsel vm0, $0x0, v1;
	v9 =	vld.idx.msk [tilespmem:v11+s9+$0x0], $0xffff  }
0x108: {  	v20 =	vmul.f32 v23, v30;
	v23 =	vor.u32 v2, v31;
	v11 =	vld.idx.msk [tilespmem:v26+s9+$0x0], $0xffff  }
0x109: {  	v32 =	vld [tilespmem:s28+$0x60]  }
0x10a: {  	v19 =	vld.idx.msk [tilespmem:v19+s17+$0x0], $0xffff;
	v20 =	vadd.f32 v20, v12  }
0x10b: {  	v21 =	vld [tilespmem:s28+$0x70];
	s28 =	simm.s32 $0x105F0;
	vm9 =	veq.s32 v13, $0x0;
	v13 =	vor.u32 v2, v22;
	v18 =	vmul.f32 v18, v30  }
0x10c: {  	v10 =	vld.idx.msk [tilespmem:v10+s9+$0x0], $0xffff;
	[tilespmem:s28+$0xFFFFFF90] =	vst v20  }
0x10d: {  	v17 =	vmul.f32 v17, v30;
	v20 =	vld.idx.msk [tilespmem:v23+s17+$0x0], $0xffff;
	v23 =	vor.u32 v2, v34;
	v18 =	vadd.f32 v18, v11;
	_ =	sdelay $0x1  }
0x10e: {  	v26 =	vor.u32 v2, v25;
	v19 =	vmul.f32 v19, v30;
	v17 =	vadd.f32 v17, v9;
	[tilespmem:s28+$0xFFFFFE90] =	vst v18  }
0x10f: {  	v13 =	vld.idx.msk [tilespmem:v13+s17+$0x0], $0xffff  }
0x110: {  	v29 =	vsel vm9, $0x0, v1;
	[tilespmem:s28+$0xFFFFFE10] =	vst v17;
	v17 =	vadd.f32 v19, v10  }
0x111: {  	v19 =	vmul.f32 v20, v29;
	v20 =	vor.u32 v3, v31;
	v23 =	vld.idx.msk [tilespmem:v23+s17+$0x0], $0xffff  }
0x112: {  	[tilespmem:s28+$0xFFFFFF10] =	vst v17  }
0x113: {  	v18 =	vld.idx.msk [tilespmem:v26+s17+$0x0], $0xffff;
	v17 =	vadd.f32 v19, v12  }
0x114: {  	vm10 =	veq.s32 v15, $0x0;
	v15 =	vor.u32 v3, v22;
	v13 =	vmul.f32 v13, v29  }
0x115: {  	[tilespmem:s28+$0xFFFFFFA0] =	vst v17  }
0x116: {  	v19 =	vor.u32 v3, v34;
	v17 =	vld.idx.msk [tilespmem:v20+s17+$0x0], $0xffff;
	v20 =	vmul.f32 v23, v29;
	v13 =	vadd.f32 v13, v11;
	_ =	sdelay $0x1  }
0x117: {  	v26 =	vor.u32 v3, v25;
	v18 =	vmul.f32 v18, v29;
	v20 =	vadd.f32 v20, v9;
	[tilespmem:s28+$0xFFFFFEA0] =	vst v13  }
0x118: {  	v27 =	vor.u32 v4, v34;
	v50 =	vor.u32 v5, v31;
	v15 =	vld.idx.msk [tilespmem:v15+s17+$0x0], $0xffff  }
0x119: {  	v58 =	vor.u32 v5, v34;
	s31 =	simm.s32 $0x4;
	v28 =	vsel vm10, $0x0, v1;
	v18 =	vadd.f32 v18, v10;
	[tilespmem:s28+$0xFFFFFE20] =	vst v20  }
0x11a: {  	v13 =	vmov s31;
	v20 =	vor.u32 v4, v31;
	v17 =	vmul.f32 v17, v28;
	v19 =	vld.idx.msk [tilespmem:v19+s17+$0x0], $0xffff  }
0x11b: {  	v47 =	vor.u32 v4, v22;
	v59 =	vor.u32 v5, v22;
	s8 =	sadd.s32 $0x4, s24;
	v13 =	vand.u32 $0x7C, v13;
	[tilespmem:s28+$0xFFFFFF20] =	vst v18  }
0x11c: {  	s0 =	sadd.s32 $0x42, s8;
	vm11 =	veq.s32 v16, $0x0;
	v13 =	vbroadcast v13, $0x0;
	v16 =	vadd.f32 v17, v12;
	v17 =	vld.idx.msk [tilespmem:v26+s17+$0x0], $0xffff  }
0x11d: {  	v49 =	vor.u32 v4, v25;
	v55 =	vmov s0;
	v15 =	vmul.f32 v15, v28  }
0x11e: {  	s7 =	simm.s32 $0x7;
	v61 =	vor.u32 v5, v25;
	v23 =	vsel vm11, $0x0, v1;
	v51 =	vor.u32 v0, v13;
	[tilespmem:s28+$0xFFFFFFB0] =	vst v16  }
0x11f: {  	s2 =	simm.s32 $0x5;
	s6 =	simm.s32 $0x6;
	v16 =	vmov s7;
	v48 =	vld.idx.msk [tilespmem:v20+s17+$0x0], $0xffff;
	v19 =	vmul.f32 v19, v28;
	v15 =	vadd.f32 v15, v11  }
0x120: {  	v18 =	vmov s2;
	v26 =	vmov s6;
	v16 =	vand.u32 $0x7F, v16  }
0x121: {  	s10 =	sadd.s32 $0x43, s8;
	v16 =	vbroadcast v16, $0x0;
	v19 =	vadd.f32 v19, v9;
	v17 =	vmul.f32 v17, v28;
	[tilespmem:s28+$0xFFFFFEB0] =	vst v15  }
0x122: {  	v18 =	vand.u32 $0x7D, v18;
	v26 =	vand.u32 $0x7E, v26;
	v15 =	vmov s10;
	v33 =	vld.idx.msk [tilespmem:v47+s17+$0x0], $0xffff  }
0x123: {  	v20 =	vbroadcast v18, $0x0;
	v18 =	vor.u32 v0, v16;
	[tilespmem:s28+$0xFFFFFE30] =	vst v19;
	v19 =	vadd.f32 v17, v10  }
0x124: {  	vm12 =	veq.s32 v14, $0x0;
	s31 =	sadd.s32 $0x40, s8;
	s7 =	sadd.s32 $0x41, s8;
	v57 =	vld.idx.msk [tilespmem:v51+s17+$0x0], $0xffff;
	v17 =	vbroadcast v26, $0x0;
	v35 =	vmul.f32 v48, v23  }
0x125: {  	v54 =	vmov s7;
	v52 =	vor.u32 v0, v20;
	v27 =	vld.idx.msk [tilespmem:v27+s17+$0x0], $0xffff;
	[tilespmem:s28+$0xFFFFFF30] =	vst v19;
	v19 =	vmov s31  }
0x126: {  	v56 =	vor.u32 v0, v17;
	v26 =	vadd.f32 v35, v12;
	v53 =	vld.idx.msk [tilespmem:v49+s17+$0x0], $0xffff;
	v19 =	vand.u32 $0xFFFFFFFC, v19  }
0x127: {  	v36 =	vand.u32 $0xFFFFFFFD, v54;
	v15 =	vld.idx.msk [tilespmem:v15+s9+$0x0], $0xffff;
	v19 =	vbroadcast v19, $0x0;
	v14 =	vmul.f32 v33, v23  }
0x128: {  	vm14 =	veq.s32 v32, $0x0;
	v36 =	vbroadcast v36, $0x0;
	v18 =	vld.idx.msk [tilespmem:v18+s17+$0x0], $0xffff;
	[tilespmem:s28+$0xFFFFFFC0] =	vst v26;
	v26 =	vand.u32 $0xFFFFFFFE, v55  }
0x129: {  	v32 =	vor.u32 v6, v13;
	v37 =	vld.idx.msk [tilespmem:v50+s17+$0x0], $0xffff;
	v40 =	vbroadcast v26, $0x0;
	v60 =	vadd.f32 v14, v11  }
0x12a: {  	v44 =	vor.u32 v4, v13;
	v51 =	vor.u32 v2, v13;
	v43 =	vor.u32 v4, v20;
	v39 =	vld.idx.msk [tilespmem:v52+s17+$0x0], $0xffff  }
0x12b: {  	vm13 =	veq.s32 v24, $0x0;
	v63 =	vor.u32 v2, v16;
	v27 =	vmul.f32 v27, v23;
	v41 =	vld.idx.msk [tilespmem:v56+s17+$0x0], $0xffff;
	[tilespmem:s28+$0xFFFFFEC0] =	vst v60  }
0x12c: {  	v24 =	vor.u32 v2, v17;
	v49 =	vor.u32 v6, v31;
	v35 =	vmul.f32 v53, v23;
	v42 =	vld.idx.msk [tilespmem:v59+s17+$0x0], $0xffff  }
0x12d: {  	v26 =	vsel vm12, $0x0, v1;
	v27 =	vadd.f32 v27, v9;
	v62 =	vmul.f32 v18, v30;
	v14 =	vld.idx.msk [tilespmem:v19+s9+$0x0], $0xffff  }
0x12e: {  	v52 =	vor.u32 v2, v20;
	v35 =	vadd.f32 v35, v10;
	v19 =	vld.idx.msk [tilespmem:v36+s9+$0x0], $0xffff;
	v48 =	vmul.f32 v37, v26  }
0x12f: {  	v33 =	vmul.f32 v57, v30;
	[tilespmem:s28+$0xFFFFFE40] =	vst v27;
	v50 =	vadd.f32 v62, v15;
	v18 =	vld.idx.msk [tilespmem:v40+s9+$0x0], $0xffff  }
0x130: {  	s30 =	simm.s32 $0x107F0;
	v57 =	vor.u32 v6, v22;
	v38 =	vld.idx.msk [tilespmem:v58+s17+$0x0], $0xffff;
	[tilespmem:s28+$0xFFFFFF40] =	vst v35;
	v36 =	vadd.f32 v48, v12  }
0x131: {  	v39 =	vmul.f32 v39, v30;
	v60 =	vor.u32 v6, v25;
	[tilespmem:s30+$0xFFFFFF90] =	vst v50;
	v53 =	vld.idx.msk [tilespmem:v61+s17+$0x0], $0xffff  }
0x132: {  	v55 =	vmul.f32 v41, v30;
	v54 =	vld.idx.msk [tilespmem:v63+s17+$0x0], $0xffff;
	[tilespmem:s28+$0xFFFFFFD0] =	vst v36;
	v33 =	vadd.f32 v33, v14  }
0x133: {  	v40 =	vor.u32 v6, v34;
	v59 =	vmul.f32 v42, v26;
	v39 =	vadd.f32 v39, v19;
	v37 =	vld.idx.msk [tilespmem:v49+s17+$0x0], $0xffff  }
0x134: {  	v63 =	vor.u32 v3, v16;
	v42 =	vor.u32 v7, v34;
	[tilespmem:s30+$0xFFFFFE10] =	vst v33;
	v56 =	vadd.f32 v55, v18  }
0x135: {  	v38 =	vmul.f32 v38, v26;
	[tilespmem:s30+$0xFFFFFE90] =	vst v39;
	v39 =	vadd.f32 v59, v11;
	v58 =	vld.idx.msk [tilespmem:v51+s17+$0x0], $0xffff  }
0x136: {  	v27 =	vsel vm13, $0x0, v1;
	v55 =	vor.u32 v3, v13;
	v61 =	vld.idx.msk [tilespmem:v52+s17+$0x0], $0xffff;
	v35 =	vmul.f32 v53, v26;
	[tilespmem:s30+$0xFFFFFF10] =	vst v56  }
0x137: {  	v51 =	vadd.f32 v38, v9;
	v52 =	vor.u32 v3, v17;
	v62 =	vmul.f32 v54, v29;
	v53 =	vld.idx.msk [tilespmem:v24+s17+$0x0], $0xffff  }
0x138: {  	v54 =	vor.u32 v7, v31;
	[tilespmem:s28+$0xFFFFFED0] =	vst v39;
	v35 =	vadd.f32 v35, v10;
	v37 =	vmul.f32 v37, v27  }
0x139: {  	v39 =	vor.u32 v3, v20;
	v48 =	vld.idx.msk [tilespmem:v57+s17+$0x0], $0xffff;
	[tilespmem:s28+$0xFFFFFE50] =	vst v51;
	v33 =	vadd.f32 v62, v15  }
0x13a: {  	v40 =	vld.idx.msk [tilespmem:v40+s17+$0x0], $0xffff;
	[tilespmem:s28+$0xFFFFFF50] =	vst v35;
	v49 =	vadd.f32 v37, v12;
	v50 =	vmul.f32 v58, v29  }
0x13b: {  	s0 =	simm.s32 $0x8;
	vm15 =	veq.s32 v21, $0x0;
	[tilespmem:s30+$0xFFFFFFA0] =	vst v33;
	v36 =	vld.idx.msk [tilespmem:v60+s17+$0x0], $0xffff;
	v56 =	vmul.f32 v61, v29;
	v33 =	vor.u32 v8, v34  }
0x13c: {  	v58 =	vmov s0;
	v57 =	vld.idx.msk [tilespmem:v63+s17+$0x0], $0xffff;
	[tilespmem:s28+$0xFFFFFFE0] =	vst v49;
	v35 =	vadd.f32 v50, v14;
	v59 =	vmul.f32 v53, v29  }
0x13d: {  	v61 =	vand.u32 $0x7C, v58;
	v58 =	vor.u32 v4, v16;
	v38 =	vadd.f32 v56, v19;
	v60 =	vld.idx.msk [tilespmem:v54+s17+$0x0], $0xffff  }
0x13e: {  	v53 =	vmul.f32 v48, v27;
	v54 =	vor.u32 v7, v22;
	[tilespmem:s30+$0xFFFFFE20] =	vst v35;
	v62 =	vadd.f32 v59, v18  }
0x13f: {  	s8 =	simm.s32 $0x9;
	v24 =	vsel vm14, $0x0, v1;
	v56 =	vor.u32 v7, v25;
	v40 =	vmul.f32 v40, v27;
	[tilespmem:s30+$0xFFFFFEA0] =	vst v38;
	v46 =	vld.idx.msk [tilespmem:v55+s17+$0x0], $0xffff  }
0x140: {  	v63 =	vmov s8;
	v38 =	vadd.f32 v53, v11;
	v39 =	vld.idx.msk [tilespmem:v39+s17+$0x0], $0xffff;
	v36 =	vmul.f32 v36, v27;
	[tilespmem:s30+$0xFFFFFF20] =	vst v62  }
0x141: {  	v34 =	vand.u32 $0x7D, v63;
	v63 =	vadd.f32 v40, v9;
	v57 =	vmul.f32 v57, v28;
	v37 =	vld.idx.msk [tilespmem:v52+s17+$0x0], $0xffff  }
0x142: {  	[tilespmem:s28+$0xFFFFFEE0] =	vst v38;
	v36 =	vadd.f32 v36, v10;
	v59 =	vmul.f32 v60, v24;
	v60 =	vor.u32 v8, v31  }
0x143: {  	v21 =	vsel vm15, $0x0, v1;
	v48 =	vor.u32 v4, v17;
	[tilespmem:s28+$0xFFFFFE60] =	vst v63;
	v35 =	vadd.f32 v57, v15;
	v45 =	vld.idx.msk [tilespmem:v54+s17+$0x0], $0xffff  }
0x144: {  	s10 =	simm.s32 $0xA;
	v31 =	vbroadcast v61, $0x0;
	v42 =	vld.idx.msk [tilespmem:v42+s17+$0x0], $0xffff;
	[tilespmem:s28+$0xFFFFFF60] =	vst v36;
	v61 =	vadd.f32 v59, v12;
	v62 =	vmul.f32 v46, v28  }
0x145: {  	v34 =	vbroadcast v34, $0x0;
	v55 =	vmov s10;
	[tilespmem:s30+$0xFFFFFFB0] =	vst v35;
	v46 =	vld.idx.msk [tilespmem:v56+s17+$0x0], $0xffff;
	v39 =	vmul.f32 v39, v28  }
0x146: {  	s31 =	simm.s32 $0xB;
	v36 =	vand.u32 $0x7E, v55;
	v47 =	vld.idx.msk [tilespmem:v58+s17+$0x0], $0xffff;
	[tilespmem:s28+$0xFFFFFFF0] =	vst v61;
	v49 =	vadd.f32 v62, v14;
	v50 =	vmul.f32 v37, v28  }
0x147: {  	s29 =	simm.s32 $0x107F0;
	s2 =	simm.s32 $0xC;
	v35 =	vmov s31;
	v37 =	vor.u32 v0, v31;
	v51 =	vadd.f32 v39, v19;
	v41 =	vld.idx.msk [tilespmem:v60+s17+$0x0], $0xffff  }
.LBB2_5:
0x148: {  	p0 =	slt.u32 s2, $0x3C;
	v35 =	vand.u32 $0x7F, v35;
	[tilespmem:s30+$0xFFFFFE30] =	vst v49;
	v38 =	vadd.f32 v50, v18;
	v39 =	vor.u32 v8, v22;
	v22 =	vmovc v20  }
0x149: {  	v20 =	vmul.f32 v45, v24;
	v35 =	vbroadcast v35, $0x0;
	v40 =	vld.idx.msk [tilespmem:v44+s17+$0x0], $0xffff;
	[tilespmem:s30+$0xFFFFFEB0] =	vst v51;
	v44 =	vor.u32 v8, v25  }
0x14a: {  	v45 =	vor.u32 v0, v34;
	v36 =	vbroadcast v36, $0x0;
	v50 =	vmul.f32 v46, v24;
	v43 =	vld.idx.msk [tilespmem:v43+s17+$0x0], $0xffff;
	[tilespmem:s30+$0xFFFFFF30] =	vst v38  }
0x14b: {  	s6 =	sadd.s32 s0, s24;
	s0 =	smov.u32 s2;
	v47 =	vmul.f32 v47, v23;
	v52 =	vadd.f32 v20, v11;
	v38 =	vor.u32 v0, v35;
	v46 =	vld.idx.msk [tilespmem:v48+s17+$0x0], $0xffff  }
0x14c: {  	s7 =	sadd.s32 $0x40, s6;
	s8 =	sadd.s32 $0x41, s6;
	s10 =	sadd.s32 $0x43, s6;
	v25 =	vmovc v17;
	v48 =	vor.u32 v5, v16;
	v49 =	vadd.f32 v50, v10;
	v41 =	vmul.f32 v41, v21  }
0x14d: {  	s6 =	sadd.s32 $0x42, s6;
	v51 =	vmov s10;
	v17 =	vmovc v36;
	v50 =	vmov s7;
	v47 =	vadd.f32 v47, v15;
	v20 =	vmovc v34;
	[tilespmem:s28+$0xFFFFFEF0] =	vst v52  }
0x14e: {  	v36 =	vmov s6;
	v34 =	vmov s8;
	v41 =	vadd.f32 v41, v12;
	v12 =	vmovc v15;
	v39 =	vld.idx.msk [tilespmem:v39+s17+$0x0], $0xffff;
	[tilespmem:s28+$0xFFFFFF70] =	vst v49  }
0x14f: {  	v36 =	vand.u32 $0xFFFFFFFE, v36;
	v15 =	vand.u32 $0xFFFFFFFC, v50;
	v34 =	vand.u32 $0xFFFFFFFD, v34;
	[tilespmem:s30+$0xFFFFFFC0] =	vst v47;
	v44 =	vld.idx.msk [tilespmem:v44+s17+$0x0], $0xffff  }
0x150: {  	v34 =	vbroadcast v34, $0x0;
	v49 =	vor.u32 v0, v17;
	v47 =	vbroadcast v15, $0x0;
	v38 =	vld.idx.msk [tilespmem:v38+s17+$0x0], $0xffff;
	[tilespmem:s28+$0x0] =	vst v41  }
0x151: {  	v36 =	vbroadcast v36, $0x0;
	v43 =	vmul.f32 v43, v23;
	v41 =	vor.u32 v5, v13;
	v48 =	vld.idx.msk [tilespmem:v48+s17+$0x0], $0xffff  }
0x152: {  	v50 =	vor.u32 v5, v22;
	v40 =	vmul.f32 v40, v23;
	v46 =	vmul.f32 v46, v23;
	v15 =	vld.idx.msk [tilespmem:v51+s9+$0x0], $0xffff  }
0x153: {  	v42 =	vmul.f32 v42, v24;
	v43 =	vadd.f32 v43, v19;
	v51 =	vor.u32 v5, v25;
	v37 =	vld.idx.msk [tilespmem:v37+s17+$0x0], $0xffff  }
0x154: {  	v40 =	vadd.f32 v40, v14;
	v46 =	vadd.f32 v46, v18;
	v39 =	vmul.f32 v39, v21;
	v45 =	vld.idx.msk [tilespmem:v45+s17+$0x0], $0xffff  }
0x155: {  	v42 =	vadd.f32 v42, v9;
	v49 =	vld.idx.msk [tilespmem:v49+s17+$0x0], $0xffff;
	[tilespmem:s30+$0xFFFFFEC0] =	vst v43;
	v43 =	vmul.f32 v44, v21  }
0x156: {  	v38 =	vmul.f32 v38, v30;
	v44 =	vld.idx.msk [tilespmem:v47+s9+$0x0], $0xffff;
	v47 =	vor.u32 v2, v35;
	[tilespmem:s30+$0xFFFFFF40] =	vst v46  }
0x157: {  	v46 =	vor.u32 v6, v16;
	v34 =	vld.idx.msk [tilespmem:v34+s9+$0x0], $0xffff;
	[tilespmem:s30+$0xFFFFFE40] =	vst v40;
	v40 =	vmul.f32 v48, v26  }
0x158: {  	v39 =	vadd.f32 v39, v11;
	v11 =	vmov v19;
	v38 =	vadd.f32 v38, v15;
	v36 =	vld.idx.msk [tilespmem:v36+s9+$0x0], $0xffff;
	[tilespmem:s28+$0xFFFFFE70] =	vst v42  }
0x159: {  	s30 =	sadd.s32 $0x200, s30;
	v42 =	vor.u32 v2, v31;
	v48 =	vld.idx.msk [tilespmem:v50+s17+$0x0], $0xffff;
	v19 =	vadd.f32 v40, v12;
	v40 =	vadd.f32 v43, v10  }
0x15a: {  	v37 =	vmul.f32 v37, v30;
	v43 =	vor.u32 v2, v20;
	v10 =	vmov v18;
	[tilespmem:s30+$0xFFFFFF90] =	vst v38;
	v38 =	vld.idx.msk [tilespmem:v51+s17+$0x0], $0xffff  }
0x15b: {  	v51 =	vmul.f32 v45, v30;
	v45 =	vor.u32 v2, v17;
	v47 =	vld.idx.msk [tilespmem:v47+s17+$0x0], $0xffff;
	[tilespmem:s29+$0xFFFFFFD0] =	vst v19  }
0x15c: {  	v49 =	vmul.f32 v49, v30;
	v37 =	vadd.f32 v37, v44;
	v46 =	vld.idx.msk [tilespmem:v46+s17+$0x0], $0xffff;
	[tilespmem:s28+$0xFFFFFF00] =	vst v39  }
0x15d: {  	v39 =	vor.u32 v3, v31;
	v50 =	vadd.f32 v51, v34;
	v41 =	vld.idx.msk [tilespmem:v41+s17+$0x0], $0xffff;
	[tilespmem:s28+$0xFFFFFF80] =	vst v40;
	v19 =	vmov v34  }
0x15e: {  	v34 =	vadd.f32 v49, v36;
	v18 =	vmov v36;
	[tilespmem:s30+$0xFFFFFE10] =	vst v37;
	v37 =	vor.u32 v6, v22;
	v33 =	vld.idx.msk [tilespmem:v33+s17+$0x0], $0xffff  }
0x15f: {  	v40 =	vmul.f32 v48, v26;
	v36 =	vld.idx.msk [tilespmem:v42+s17+$0x0], $0xffff;
	[tilespmem:s30+$0xFFFFFE90] =	vst v50;
	v42 =	vor.u32 v6, v25  }
0x160: {  	v48 =	vor.u32 v3, v20;
	v43 =	vld.idx.msk [tilespmem:v43+s17+$0x0], $0xffff;
	[tilespmem:s30+$0xFFFFFF10] =	vst v34;
	v34 =	vmul.f32 v38, v26  }
0x161: {  	v40 =	vadd.f32 v40, v11;
	v38 =	vld.idx.msk [tilespmem:v45+s17+$0x0], $0xffff;
	v45 =	vmul.f32 v47, v29;
	v47 =	vor.u32 v3, v35  }
0x162: {  	v49 =	vor.u32 v7, v16;
	v46 =	vmul.f32 v46, v27;
	v34 =	vadd.f32 v34, v10  }
0x163: {  	v50 =	vor.u32 v3, v17;
	v41 =	vmul.f32 v41, v26;
	v45 =	vadd.f32 v45, v15;
	[tilespmem:s29+$0xFFFFFED0] =	vst v40  }
0x164: {  	v33 =	vmul.f32 v33, v21;
	v37 =	vld.idx.msk [tilespmem:v37+s17+$0x0], $0xffff;
	[tilespmem:s29+$0xFFFFFF50] =	vst v34;
	v34 =	vadd.f32 v46, v12  }
0x165: {  	v36 =	vmul.f32 v36, v29;
	v40 =	vadd.f32 v41, v14;
	[tilespmem:s30+$0xFFFFFFA0] =	vst v45;
	v41 =	vld.idx.msk [tilespmem:v42+s17+$0x0], $0xffff  }
0x166: {  	v42 =	vmul.f32 v43, v29;
	v43 =	vld.idx.msk [tilespmem:v47+s17+$0x0], $0xffff;
	[tilespmem:s29+$0xFFFFFFE0] =	vst v34;
	v34 =	vadd.f32 v33, v9;
	v9 =	vmov v14  }
0x167: {  	v33 =	vmov s2;
	v36 =	vadd.f32 v36, v44;
	v38 =	vmul.f32 v38, v29;
	v14 =	vmovc v44;
	[tilespmem:s29+$0xFFFFFE50] =	vst v40;
	v40 =	vld.idx.msk [tilespmem:v49+s17+$0x0], $0xffff  }
0x168: {  	v45 =	vand.u32 $0x7C, v33;
	v42 =	vadd.f32 v42, v19;
	v33 =	vor.u32 v8, v13;
	v46 =	vld.idx.msk [tilespmem:v32+s17+$0x0], $0xffff;
	[tilespmem:s28+$0xFFFFFE80] =	vst v34;
	s28 =	smov.u32 s29;
	s29 =	smov.u32 s30  }
0x169: {  	s6 =	sadd.s32 $0x1, s2;
	v32 =	vor.u32 v6, v31;
	v34 =	vadd.f32 v38, v18;
	v38 =	vor.u32 v7, v13;
	[tilespmem:s30+$0xFFFFFE20] =	vst v36  }
0x16a: {  	v13 =	vmovc v31;
	v36 =	vmov s6;
	s6 =	sadd.s32 $0x2, s2;
	v37 =	vmul.f32 v37, v27;
	v39 =	vld.idx.msk [tilespmem:v39+s17+$0x0], $0xffff;
	[tilespmem:s30+$0xFFFFFEA0] =	vst v42;
	v42 =	vor.u32 v7, v22  }
0x16b: {  	v47 =	vmov s6;
	v31 =	vmul.f32 v41, v27;
	v48 =	vld.idx.msk [tilespmem:v48+s17+$0x0], $0xffff;
	[tilespmem:s30+$0xFFFFFF20] =	vst v34;
	v34 =	vor.u32 v7, v25  }
0x16c: {  	v49 =	vor.u32 v4, v35;
	v43 =	vmul.f32 v43, v28;
	v37 =	vadd.f32 v37, v11;
	v41 =	vld.idx.msk [tilespmem:v50+s17+$0x0], $0xffff  }
0x16d: {  	v51 =	vor.u32 v8, v16;
	v16 =	vmovc v35;
	v50 =	vadd.f32 v31, v10;
	v40 =	vmul.f32 v40, v24  }
0x16e: {  	v44 =	vor.u32 v4, v13;
	v35 =	vadd.f32 v43, v15;
	v46 =	vmul.f32 v46, v27;
	[tilespmem:s28+$0xFFFFFEE0] =	vst v37  }
.Ltmp1:
0x16f: {  	v31 =	vbroadcast v45, $0x0;
	v43 =	vor.u32 v4, v20;
	v37 =	vadd.f32 v40, v12;
	v45 =	vld.idx.msk [tilespmem:v42+s17+$0x0], $0xffff;
	[tilespmem:s28+$0xFFFFFF60] =	vst v50;
	(pc) =	sbr.rel @p0 .LBB2_5-.Ltmp1, $4  }
0x170: {  	v40 =	vand.u32 $0x7D, v36;
	v39 =	vmul.f32 v39, v28;
	[tilespmem:s30+$0xFFFFFFB0] =	vst v35;
	v35 =	vadd.f32 v46, v9;
	v46 =	vld.idx.msk [tilespmem:v34+s17+$0x0], $0xffff  }
0x171: {  	v36 =	vand.u32 $0x7E, v47;
	v42 =	vmul.f32 v48, v28;
	v48 =	vor.u32 v4, v17;
	v47 =	vld.idx.msk [tilespmem:v49+s17+$0x0], $0xffff;
	[tilespmem:s28+$0xFFFFFFF0] =	vst v37  }
0x172: {  	s6 =	sadd.s32 $0x3, s2;
	v34 =	vbroadcast v40, $0x0;
	v49 =	vadd.f32 v39, v14;
	v50 =	vmul.f32 v41, v28;
	[tilespmem:s28+$0xFFFFFE60] =	vst v35;
	v41 =	vld.idx.msk [tilespmem:v51+s17+$0x0], $0xffff  }
0x173: {  	s2 =	sadd.s32 $0x4, s2;
	v37 =	vor.u32 v0, v31;
	v35 =	vmov s6;
	v51 =	vadd.f32 v42, v19;
	v42 =	vld.idx.msk [tilespmem:v38+s17+$0x0], $0xffff  }
0x174: {  	v35 =	vand.u32 $0x7F, v35  }
0x175: {  	s0 =	sadd.s32 s0, s24;
	v39 =	vbroadcast v35, $0x0  }
0x176: {  	v52 =	vor.u32 v0, v34;
	v40 =	vbroadcast v36, $0x0;
	s2 =	sadd.s32 $0x41, s0;
	s8 =	sadd.s32 $0x43, s0  }
0x177: {  	s6 =	sadd.s32 $0x42, s0;
	s0 =	sadd.s32 $0x40, s0;
	v38 =	vmov s2;
	v63 =	vmov s8;
	v35 =	vor.u32 v0, v39  }
0x178: {  	v53 =	vmov s6;
	v54 =	vmov s0;
	v38 =	vand.u32 $0xFFFFFFFD, v38  }
0x179: {  	v55 =	vor.u32 v0, v40;
	v53 =	vand.u32 $0xFFFFFFFE, v53;
	v38 =	vbroadcast v38, $0x0  }
0x17a: {  	v57 =	vld.idx.msk [tilespmem:v37+s17+$0x0], $0xffff;
	v54 =	vand.u32 $0xFFFFFFFC, v54;
	v53 =	vbroadcast v53, $0x0  }
0x17b: {  	v54 =	vbroadcast v54, $0x0;
	v52 =	vld.idx.msk [tilespmem:v52+s17+$0x0], $0xffff  }
0x17c: {  	v56 =	vld.idx.msk [tilespmem:v35+s17+$0x0], $0xffff  }
0x17d: {  	v36 =	vld.idx.msk [tilespmem:v63+s9+$0x0], $0xffff  }
0x17e: {  	v55 =	vld.idx.msk [tilespmem:v55+s17+$0x0], $0xffff  }
0x17f: {  	v35 =	vld.idx.msk [tilespmem:v38+s9+$0x0], $0xffff  }
0x180: {  	v38 =	vld.idx.msk [tilespmem:v53+s9+$0x0], $0xffff  }
0x181: {  	v58 =	vor.u32 v2, v39;
	v37 =	vld.idx.msk [tilespmem:v54+s9+$0x0], $0xffff;
	v56 =	vmul.f32 v56, v30  }
0x182: {  	v53 =	vor.u32 v2, v34;
	v52 =	vmul.f32 v52, v30  }
0x183: {  	v60 =	vor.u32 v2, v40;
	v55 =	vmul.f32 v55, v30;
	v59 =	vadd.f32 v56, v36  }
0x184: {  	s10 =	sadd.s32 $0x200, s30;
	v62 =	vor.u32 v2, v31;
	v61 =	vmul.f32 v57, v30;
	v52 =	vadd.f32 v52, v35  }
0x185: {  	v55 =	vadd.f32 v55, v38;
	[tilespmem:s10+$0xFFFFFF90] =	vst v59  }
0x186: {  	v30 =	vadd.f32 v61, v37;
	[tilespmem:s10+$0xFFFFFE90] =	vst v52;
	v63 =	vld.idx.msk [tilespmem:v58+s17+$0x0], $0xffff  }
0x187: {  	[tilespmem:s10+$0xFFFFFF10] =	vst v55;
	v53 =	vld.idx.msk [tilespmem:v53+s17+$0x0], $0xffff  }
0x188: {  	[tilespmem:s10+$0xFFFFFE10] =	vst v30;
	v58 =	vld.idx.msk [tilespmem:v60+s17+$0x0], $0xffff  }
0x189: {  	v45 =	vmul.f32 v45, v24;
	v52 =	vld.idx.msk [tilespmem:v62+s17+$0x0], $0xffff  }
0x18a: {  	[tilespmem:s30+$0xFFFFFE30] =	vst v49  }
0x18b: {  	[tilespmem:s30+$0xFFFFFEB0] =	vst v51;
	v45 =	vadd.f32 v45, v11;
	v62 =	vor.u32 v3, v39;
	v59 =	vmul.f32 v63, v29  }
0x18c: {  	v44 =	vld.idx.msk [tilespmem:v44+s17+$0x0], $0xffff;
	v56 =	vor.u32 v3, v34;
	v60 =	vadd.f32 v50, v18;
	v61 =	vmul.f32 v53, v29  }
0x18d: {  	[tilespmem:s28+$0xFFFFFEF0] =	vst v45;
	v57 =	vor.u32 v3, v40;
	v30 =	vmul.f32 v58, v29;
	v63 =	vadd.f32 v59, v36  }
0x18e: {  	[tilespmem:s30+$0xFFFFFF30] =	vst v60;
	v58 =	vmul.f32 v52, v29;
	v50 =	vadd.f32 v61, v35;
	v59 =	vor.u32 v3, v31  }
0x18f: {  	v43 =	vld.idx.msk [tilespmem:v43+s17+$0x0], $0xffff;
	v47 =	vmul.f32 v47, v23;
	v30 =	vadd.f32 v30, v38;
	[tilespmem:s10+$0xFFFFFFA0] =	vst v63  }
0x190: {  	v22 =	vor.u32 v8, v22;
	v29 =	vadd.f32 v58, v37;
	[tilespmem:s10+$0xFFFFFEA0] =	vst v50;
	v51 =	vld.idx.msk [tilespmem:v62+s17+$0x0], $0xffff  }
0x191: {  	v47 =	vadd.f32 v47, v15;
	[tilespmem:s10+$0xFFFFFF20] =	vst v30;
	v49 =	vld.idx.msk [tilespmem:v56+s17+$0x0], $0xffff  }
0x192: {  	v46 =	vmul.f32 v46, v24;
	v60 =	vor.u32 v5, v16;
	[tilespmem:s10+$0xFFFFFE20] =	vst v29;
	v62 =	vld.idx.msk [tilespmem:v57+s17+$0x0], $0xffff  }
0x193: {  	v25 =	vor.u32 v8, v25;
	v42 =	vmul.f32 v42, v24;
	[tilespmem:s30+$0xFFFFFFC0] =	vst v47;
	v63 =	vld.idx.msk [tilespmem:v59+s17+$0x0], $0xffff  }
0x194: {  	v47 =	vor.u32 v5, v20;
	v43 =	vmul.f32 v43, v23;
	v48 =	vld.idx.msk [tilespmem:v48+s17+$0x0], $0xffff;
	v61 =	vadd.f32 v46, v10  }
0x195: {  	v53 =	vor.u32 v5, v17;
	v58 =	vor.u32 v4, v39;
	v50 =	vld.idx.msk [tilespmem:v22+s17+$0x0], $0xffff;
	v57 =	vmul.f32 v51, v28  }
0x196: {  	[tilespmem:s28+$0xFFFFFF70] =	vst v61;
	v56 =	vadd.f32 v43, v19;
	v59 =	vor.u32 v4, v34;
	v49 =	vmul.f32 v49, v28  }
0x197: {  	v30 =	vld.idx.msk [tilespmem:v60+s17+$0x0], $0xffff;
	v60 =	vor.u32 v4, v40;
	v46 =	vmul.f32 v62, v28;
	v43 =	vadd.f32 v57, v36  }
0x198: {  	[tilespmem:s30+$0xFFFFFEC0] =	vst v56;
	v62 =	vor.u32 v4, v31;
	v61 =	vmul.f32 v63, v28;
	v63 =	vadd.f32 v49, v35  }
0x199: {  	v48 =	vmul.f32 v48, v23;
	v22 =	vld.idx.msk [tilespmem:v25+s17+$0x0], $0xffff;
	v46 =	vadd.f32 v46, v38;
	[tilespmem:s10+$0xFFFFFFB0] =	vst v43  }
0x19a: {  	v29 =	vmul.f32 v44, v23;
	v25 =	vadd.f32 v61, v37;
	[tilespmem:s10+$0xFFFFFEB0] =	vst v63;
	v44 =	vld.idx.msk [tilespmem:v58+s17+$0x0], $0xffff  }
0x19b: {  	v42 =	vadd.f32 v42, v9;
	v54 =	vadd.f32 v48, v18;
	[tilespmem:s10+$0xFFFFFF30] =	vst v46;
	v55 =	vld.idx.msk [tilespmem:v59+s17+$0x0], $0xffff  }
0x19c: {  	v56 =	vor.u32 v6, v16;
	v30 =	vmul.f32 v30, v26;
	v57 =	vld.idx.msk [tilespmem:v60+s17+$0x0], $0xffff;
	[tilespmem:s10+$0xFFFFFE30] =	vst v25  }
0x19d: {  	[tilespmem:s28+$0xFFFFFE70] =	vst v42;
	v29 =	vadd.f32 v29, v14;
	v58 =	vor.u32 v5, v13;
	v28 =	vld.idx.msk [tilespmem:v62+s17+$0x0], $0xffff  }
0x19e: {  	[tilespmem:s30+$0xFFFFFF40] =	vst v54;
	v30 =	vadd.f32 v30, v15;
	v59 =	vld.idx.msk [tilespmem:v47+s17+$0x0], $0xffff  }
0x19f: {  	[tilespmem:s30+$0xFFFFFE40] =	vst v29;
	v60 =	vld.idx.msk [tilespmem:v53+s17+$0x0], $0xffff;
	v62 =	vor.u32 v5, v39;
	v61 =	vmul.f32 v44, v23  }
0x1a0: {  	v54 =	vor.u32 v5, v34;
	[tilespmem:s29+$0xFFFFFFD0] =	vst v30;
	v63 =	vmul.f32 v55, v23  }
0x1a1: {  	v46 =	vld.idx.msk [tilespmem:v56+s17+$0x0], $0xffff;
	v25 =	vmul.f32 v57, v23;
	v55 =	vor.u32 v5, v40;
	v43 =	vadd.f32 v61, v36  }
0x1a2: {  	v56 =	vor.u32 v5, v31;
	v49 =	vld.idx.msk [tilespmem:v58+s17+$0x0], $0xffff;
	v57 =	vmul.f32 v28, v23;
	v58 =	vadd.f32 v63, v35  }
0x1a3: {  	v30 =	vor.u32 v6, v20;
	v29 =	vmul.f32 v59, v26;
	v25 =	vadd.f32 v25, v38;
	[tilespmem:s10+$0xFFFFFFC0] =	vst v43  }
0x1a4: {  	v42 =	vmul.f32 v60, v26;
	v23 =	vadd.f32 v57, v37;
	[tilespmem:s10+$0xFFFFFEC0] =	vst v58;
	v43 =	vld.idx.msk [tilespmem:v62+s17+$0x0], $0xffff  }
0x1a5: {  	v59 =	vor.u32 v6, v17;
	v29 =	vadd.f32 v29, v19;
	[tilespmem:s10+$0xFFFFFF40] =	vst v25;
	v60 =	vld.idx.msk [tilespmem:v54+s17+$0x0], $0xffff  }
0x1a6: {  	v61 =	vmul.f32 v46, v27;
	v63 =	vor.u32 v7, v16;
	v62 =	vld.idx.msk [tilespmem:v55+s17+$0x0], $0xffff;
	[tilespmem:s10+$0xFFFFFE40] =	vst v23  }
0x1a7: {  	v41 =	vmul.f32 v41, v21;
	v42 =	vadd.f32 v42, v18;
	v48 =	vmul.f32 v49, v26;
	v49 =	vld.idx.msk [tilespmem:v56+s17+$0x0], $0xffff  }
0x1a8: {  	v33 =	vld.idx.msk [tilespmem:v33+s17+$0x0], $0xffff;
	v52 =	vor.u32 v6, v39;
	[tilespmem:s29+$0xFFFFFED0] =	vst v29;
	v44 =	vadd.f32 v61, v15  }
0x1a9: {  	v53 =	vor.u32 v6, v34;
	[tilespmem:s29+$0xFFFFFF50] =	vst v42;
	v30 =	vld.idx.msk [tilespmem:v30+s17+$0x0], $0xffff;
	v43 =	vmul.f32 v43, v26  }
0x1aa: {  	v28 =	vld.idx.msk [tilespmem:v59+s17+$0x0], $0xffff;
	[tilespmem:s29+$0xFFFFFFE0] =	vst v44;
	v51 =	vadd.f32 v48, v14;
	v25 =	vmul.f32 v60, v26  }
0x1ab: {  	v55 =	vor.u32 v6, v40;
	v45 =	vld.idx.msk [tilespmem:v63+s17+$0x0], $0xffff;
	v23 =	vmul.f32 v62, v26;
	v54 =	vadd.f32 v43, v36  }
0x1ac: {  	v56 =	vor.u32 v6, v31;
	[tilespmem:s29+$0xFFFFFE50] =	vst v51;
	v25 =	vadd.f32 v25, v35;
	v57 =	vmul.f32 v49, v26  }
0x1ad: {  	v12 =	vadd.f32 v41, v12;
	v58 =	vld.idx.msk [tilespmem:v32+s17+$0x0], $0xffff;
	v23 =	vadd.f32 v23, v38;
	[tilespmem:s10+$0xFFFFFFD0] =	vst v54  }
0x1ae: {  	v30 =	vmul.f32 v30, v27;
	[tilespmem:s10+$0xFFFFFED0] =	vst v25;
	v60 =	vadd.f32 v57, v37;
	v42 =	vld.idx.msk [tilespmem:v52+s17+$0x0], $0xffff  }
0x1af: {  	v59 =	vor.u32 v7, v20;
	v61 =	vmul.f32 v28, v27;
	[tilespmem:s10+$0xFFFFFF50] =	vst v23;
	v62 =	vld.idx.msk [tilespmem:v53+s17+$0x0], $0xffff  }
0x1b0: {  	v63 =	vor.u32 v7, v17;
	v30 =	vadd.f32 v30, v19;
	v48 =	vld.idx.msk [tilespmem:v55+s17+$0x0], $0xffff;
	[tilespmem:s10+$0xFFFFFE50] =	vst v60  }
0x1b1: {  	[tilespmem:s28+$0x0] =	vst v12;
	v47 =	vor.u32 v8, v13;
	v26 =	vadd.f32 v61, v18;
	v51 =	vld.idx.msk [tilespmem:v56+s17+$0x0], $0xffff  }
0x1b2: {  	v49 =	vmul.f32 v50, v21;
	v50 =	vor.u32 v7, v13;
	[tilespmem:s29+$0xFFFFFEE0] =	vst v30;
	v29 =	vmul.f32 v58, v27  }
0x1b3: {  	v46 =	vor.u32 v8, v17;
	[tilespmem:s29+$0xFFFFFF60] =	vst v26;
	v55 =	vor.u32 v7, v39;
	v54 =	vmul.f32 v42, v27  }
0x1b4: {  	v57 =	vor.u32 v7, v34;
	v30 =	vld.idx.msk [tilespmem:v59+s17+$0x0], $0xffff;
	v56 =	vadd.f32 v29, v14;
	v28 =	vmul.f32 v62, v27  }
0x1b5: {  	v23 =	vld.idx.msk [tilespmem:v63+s17+$0x0], $0xffff;
	v58 =	vor.u32 v7, v40;
	v41 =	vmul.f32 v48, v27;
	v32 =	vadd.f32 v54, v36  }
0x1b6: {  	v59 =	vor.u32 v7, v31;
	[tilespmem:s29+$0xFFFFFE60] =	vst v56;
	v28 =	vadd.f32 v28, v35;
	v60 =	vmul.f32 v51, v27  }
0x1b7: {  	v52 =	vmul.f32 v45, v24;
	v25 =	vld.idx.msk [tilespmem:v50+s17+$0x0], $0xffff;
	v62 =	vadd.f32 v41, v38;
	[tilespmem:s10+$0xFFFFFFE0] =	vst v32  }
0x1b8: {  	v53 =	vor.u32 v8, v16;
	[tilespmem:s10+$0xFFFFFEE0] =	vst v28;
	v27 =	vadd.f32 v60, v37;
	v63 =	vld.idx.msk [tilespmem:v55+s17+$0x0], $0xffff  }
0x1b9: {  	v61 =	vor.u32 v8, v20;
	v11 =	vadd.f32 v49, v11;
	[tilespmem:s10+$0xFFFFFF60] =	vst v62;
	v29 =	vld.idx.msk [tilespmem:v57+s17+$0x0], $0xffff  }
0x1ba: {  	v44 =	vadd.f32 v52, v15;
	v30 =	vmul.f32 v30, v24;
	v32 =	vld.idx.msk [tilespmem:v58+s17+$0x0], $0xffff;
	[tilespmem:s10+$0xFFFFFE60] =	vst v27  }
0x1bb: {  	[tilespmem:s28+$0xFFFFFF00] =	vst v11;
	v52 =	vor.u32 v8, v34;
	v23 =	vmul.f32 v23, v24;
	v48 =	vld.idx.msk [tilespmem:v59+s17+$0x0], $0xffff  }
0x1bc: {  	[tilespmem:s29+$0xFFFFFFF0] =	vst v44;
	v56 =	vor.u32 v8, v31;
	v30 =	vadd.f32 v30, v19;
	v25 =	vmul.f32 v25, v24  }
0x1bd: {  	v16 =	vld.idx.msk [tilespmem:v53+s17+$0x0], $0xffff;
	v50 =	vor.u32 v8, v39;
	v23 =	vadd.f32 v23, v18;
	v49 =	vmul.f32 v63, v24  }
0x1be: {  	v54 =	vor.u32 v8, v40;
	[tilespmem:s29+$0xFFFFFEF0] =	vst v30;
	v51 =	vadd.f32 v25, v14;
	v53 =	vmul.f32 v29, v24  }
0x1bf: {  	[tilespmem:s29+$0xFFFFFF70] =	vst v23;
	v11 =	vld.idx.msk [tilespmem:v61+s17+$0x0], $0xffff;
	v55 =	vmul.f32 v32, v24;
	v20 =	vadd.f32 v49, v36  }
0x1c0: {  	v17 =	vld.idx.msk [tilespmem:v46+s17+$0x0], $0xffff;
	[tilespmem:s29+$0xFFFFFE70] =	vst v51;
	v27 =	vadd.f32 v53, v35;
	v13 =	vmul.f32 v48, v24  }
0x1c1: {  	v22 =	vmul.f32 v22, v21;
	v12 =	vld.idx.msk [tilespmem:v47+s17+$0x0], $0xffff;
	v57 =	vadd.f32 v55, v38;
	[tilespmem:s10+$0xFFFFFFF0] =	vst v20  }
0x1c2: {  	v58 =	vmul.f32 v33, v21;
	[tilespmem:s10+$0xFFFFFEF0] =	vst v27;
	v13 =	vadd.f32 v13, v37;
	v26 =	vld.idx.msk [tilespmem:v50+s17+$0x0], $0xffff  }
0x1c3: {  	v10 =	vadd.f32 v22, v10;
	v16 =	vmul.f32 v16, v21;
	[tilespmem:s10+$0xFFFFFF70] =	vst v57;
	v59 =	vld.idx.msk [tilespmem:v52+s17+$0x0], $0xffff  }
0x1c4: {  	v9 =	vadd.f32 v58, v9;
	v11 =	vmul.f32 v11, v21;
	v20 =	vld.idx.msk [tilespmem:v54+s17+$0x0], $0xffff;
	[tilespmem:s10+$0xFFFFFE70] =	vst v13  }
0x1c5: {  	[tilespmem:s28+$0xFFFFFF80] =	vst v10;
	v10 =	vadd.f32 v16, v15;
	v60 =	vmul.f32 v17, v21;
	v61 =	vld.idx.msk [tilespmem:v56+s17+$0x0], $0xffff  }
0x1c6: {  	[tilespmem:s28+$0xFFFFFE80] =	vst v9;
	v9 =	vadd.f32 v11, v19;
	v11 =	vmul.f32 v12, v21  }
0x1c7: {  	[tilespmem:s29+$0x0] =	vst v10;
	v10 =	vadd.f32 v60, v18;
	v62 =	vmul.f32 v26, v21  }
0x1c8: {  	[tilespmem:s29+$0xFFFFFF00] =	vst v9;
	v9 =	vadd.f32 v11, v14;
	v11 =	vmul.f32 v59, v21  }
0x1c9: {  	s25 =	sadd.s32 $0x1, s25;
	[tilespmem:s29+$0xFFFFFF80] =	vst v10;
	v63 =	vmul.f32 v20, v21;
	v10 =	vadd.f32 v62, v36  }
0x1ca: {  	p0 =	sne.s32 s25, $0x64;
	[tilespmem:s29+$0xFFFFFE80] =	vst v9;
	v9 =	vadd.f32 v11, v35;
	v11 =	vmul.f32 v61, v21  }
.Ltmp2:
0x1cb: {  	s30 =	sshll.u32 s26, $0x12;
	[tilespmem:s10+$0x0] =	vst v10;
	v10 =	vadd.f32 v63, v38;
	(pc) =	sbr.rel @p0 .LBB2_2-.Ltmp2, $4  }
0x1cc: {  	s2 =	sor.u32 s4, s30;
	[tilespmem:s10+$0xFFFFFF00] =	vst v9;
	v9 =	vadd.f32 v11, v37  }
0x1cd: {  	s2 =	sshrl.u32 s2, $0x3;
	[tilespmem:s10+$0xFFFFFF80] =	vst v10  }
0x1ce: {  	s24 =	sadd.s32 $0x80, s24;
	s31 =	sadd.s32 s1, s2;
	[tilespmem:s10+$0xFFFFFE80] =	vst v9  }
0x1cf: {  	[hbm4b:s31+s11] =	stream.strided.scatter [tilespmem:s20], [sflag:$0x4], $0x2000, s12, s11, $0x38;
	[tilespmem:$0x15600] =	vst v63  }
0x1d0: {  	_ =	swait.ge [sflag:s21], $0x2000  }
0x1d1: {  	[sflag:s21] =	ssyncset.done $0x0  }
0x1d2: {  	[sflag:s21] =	ssyncadd.s32 $0xFFFFE000  }
0x1d3: {  	_ =	swait.ge [sflag:s22], $0x2000  }
0x1d4: {  	s23 =	sadd.s32 $0x1, s23;
	s0 =	rddreg [dreg:$0x6]  }
0x1d5: {  	p0 =	sne.s32 s23, s0  }
.Ltmp3:
0x1d6: {  	_ = 	snop;
	(pc) =	sbr.rel @p0 .LBB2_1-.Ltmp3, $3  }
0x1d7: {  	_ =	sdelay $0x1  }
0x1d8: {  	[sflag:s22] =	ssyncset.done $0x0  }
0x1d9: {  	[sflag:s22] =	ssyncadd.s32 $0xFFFFE000  }
0x1da: {  	_ =	sfence.sel $0x180000  }
0x1db: {  	[bflag:$0x0] =	sbarrier.arrive $0xFFFF  }
0x1dc: {  	_ =	strace $0x90000047  }
0x1dd: {  	s0 =	stileid.u32;
	[bflag:$0x2] =	sbarrier.arrive $0xFFFF  }
0x1de: {  	p0 =	sne.s32 s0, $0x0;
	s0 =	rddreg [dreg:$0x3]  }
0x1df: {  	s0 =	sadd.s32 @!p0 $0x100000, s0  }
0x1e0: {  	[sflag:s0] =	ssyncadd.tile.s32 @!p0 $0x1;
	_ =	shalt  }
.Lfunc_end2:
_tile_overlayer_lowered:
.L_overlay_start_2:
0x1e1: {  	(tag) =	ssettag $0x2  }
0x1e2: {  	s0 =	rddreg [dreg:$0x0];
	s2 =	stileid.u32  }
0x1e3: {  	s1 =	rddreg [dreg:$0x1];
	p0 =	sne.s32 s2, $0x0  }
0x1e4: {  	s3 =	rddreg [dreg:$0x2];
	[bflag:$0x3] =	sbarrier.arrive $0xFFFF;
	s2 =	simm.s32 @!p0 $0x1C06  }
0x1e5: {  	[timem:s3], [sflag:s2] =	dma.local @!p0 [hbm:s0], s1  }
0x1e6: {  	s0 =	simm.s32 @!p0 $0x6  }
0x1e7: {  	_ =	swait.ge @!p0 [sflag:s0], s1  }
0x1e8: {  	s1 =	ssub.s32 @!p0 $0x0, s1;
	[sflag:s0] =	ssyncset.done @!p0 $0x0  }
0x1e9: {  	[sflag:s0] =	ssyncadd.s32 @!p0 s1  }
0x1ea: {  	[bflag:$0x3] =	sbarrier.arrive $0xFFFF  }
0x1eb: {  	_ =	shalt  }

</sc_bundles>
